<compile_context>
chip_gen: v7x
topology: tpu7x:2x2x1
jax: 0.10.2.dev20260603
libtpu: 0.0.44.dev20260713+nightly
codegen_flags: <defaults>
</compile_context>

<pallas_src>
import jax
import jax.numpy as jnp
from jax import lax
from jax.experimental import pallas as pl
from jax.experimental.pallas import tpu as pltpu
from jax.experimental.pallas import tpu_sc as plsc

N = 10000
E = 320000
D = 128

NC = 2
NS = 16
NW = NC * NS
L = 16

B = 128
KB = -(-E // (NW * B))
E_PAD = NW * KB * B
N_PAD = 10240
RPT = N_PAD // NS
ZR = 64
D_PAD = 10240
D_RPT = D_PAD // NS

_mesh = plsc.VectorSubcoreMesh(
    core_axis_name="c", subcore_axis_name="s", num_cores=NC, num_subcores=NS)


def _agg_body(x_hbm, src_hbm, dst_hbm, agg_hbm,
              src_v, dst_v, rows_v, zbuf_v, acc_sh, sem):
    cid = lax.axis_index("c")
    sid = lax.axis_index("s")
    wid = sid * NC + cid
    r0 = sid * RPT

    zv = jnp.zeros((L,), jnp.float32)

    def _zrow(i, carry):
        for j in range(D // L):
            zbuf_v[i, pl.ds(j * L, L)] = zv
        return carry
    lax.fori_loop(0, ZR, _zrow, 0)

    def _zero(k, carry):
        pltpu.sync_copy(zbuf_v, acc_sh.at[pl.ds(r0 + k * ZR, ZR)])
        return carry
    lax.fori_loop(0, RPT // ZR, _zero, 0)

    plsc.subcore_barrier()

    pltpu.sync_copy(src_hbm.at[wid], src_v)
    pltpu.sync_copy(dst_hbm.at[wid], dst_v)

    def _blk(j, carry):
        pltpu.async_copy(x_hbm.at[src_v.at[j]], rows_v, sem).wait()
        pltpu.sync_copy(rows_v, acc_sh.at[dst_v.at[j]], add=True)
        return carry
    lax.fori_loop(0, KB, _blk, 0)

    plsc.subcore_barrier()

    pltpu.sync_copy(acc_sh.at[pl.ds(r0, RPT)],
                    agg_hbm.at[cid].at[pl.ds(r0, RPT)])


_sc_agg = pl.kernel(
    _agg_body,
    out_type=jax.ShapeDtypeStruct((NC, N_PAD, D), jnp.float32),
    mesh=_mesh,
    scratch_types=[
        pltpu.VMEM((KB, B), jnp.int32),
        pltpu.VMEM((KB, B), jnp.int32),
        pltpu.VMEM((B, D), jnp.float32),
        pltpu.VMEM((ZR, D), jnp.float32),
        pltpu.VMEM_SHARED((N_PAD, D), jnp.float32),
        pltpu.SemaphoreType.DMA,
    ])


def _deg_body(dst_hbm, deg_hbm, dst_v, zvec_v, ones_v, dacc_sh):
    cid = lax.axis_index("c")
    sid = lax.axis_index("s")
    wid = sid * NC + cid
    r0 = sid * D_RPT

    zv = jnp.zeros((L,), jnp.float32)
    for j in range(D_RPT // L):
        zvec_v[pl.ds(j * L, L)] = zv
    ov = jnp.ones((L,), jnp.float32)
    for j in range(B // L):
        ones_v[pl.ds(j * L, L)] = ov

    pltpu.sync_copy(zvec_v, dacc_sh.at[pl.ds(r0, D_RPT)])
    pltpu.sync_copy(dst_hbm.at[wid], dst_v)

    plsc.subcore_barrier()

    def _blk(j, carry):
        pltpu.sync_copy(ones_v, dacc_sh.at[dst_v.at[j]], add=True)
        return carry
    lax.fori_loop(0, KB, _blk, 0)

    plsc.subcore_barrier()

    pltpu.sync_copy(dacc_sh.at[pl.ds(r0, D_RPT)],
                    deg_hbm.at[cid].at[pl.ds(r0, D_RPT)])


_sc_deg = pl.kernel(
    _deg_body,
    out_type=jax.ShapeDtypeStruct((NC, D_PAD), jnp.float32),
    mesh=_mesh,
    scratch_types=[
        pltpu.VMEM((KB, B), jnp.int32),
        pltpu.VMEM((D_RPT,), jnp.float32),
        pltpu.VMEM((B,), jnp.float32),
        pltpu.VMEM_SHARED((D_PAD,), jnp.float32),
    ])

BR = 512


def _tc_body(agg_ref, deg_ref, x_ref, wn_ref, ws_ref, b_ref, o_ref):
    agg = agg_ref[0] + agg_ref[1]
    deg = deg_ref[0] + deg_ref[1]
    recip = 1.0 / jnp.maximum(deg, 1.0)
    m = jnp.dot(agg, wn_ref[...], preferred_element_type=jnp.float32)
    h = (m * recip
         + jnp.dot(x_ref[...], ws_ref[...], preferred_element_type=jnp.float32)
         + b_ref[...])
    o_ref[...] = jnp.maximum(h, 0.0)


def _tc_layer(agg, deg3, x, wn, ws, b):
    nb = pl.cdiv(N_PAD, BR)
    return pl.pallas_call(
        _tc_body,
        grid=(nb,),
        in_specs=[
            pl.BlockSpec((NC, BR, D), lambda i: (0, i, 0)),
            pl.BlockSpec((NC, BR, 1), lambda i: (0, i, 0)),
            pl.BlockSpec((BR, D), lambda i: (i, 0)),
            pl.BlockSpec((D, D), lambda i: (0, 0)),
            pl.BlockSpec((D, D), lambda i: (0, 0)),
            pl.BlockSpec((1, D), lambda i: (0, 0)),
        ],
        out_specs=pl.BlockSpec((BR, D), lambda i: (i, 0)),
        out_shape=jax.ShapeDtypeStruct((N_PAD, D), jnp.float32),
    )(agg, deg3, x, wn, ws, b.reshape(1, D))


def kernel(node_fts, edge_index, W_neigh1, W_self1, b1, W_neigh2, W_self2, b2):
    src = edge_index[0]
    dst = edge_index[1]
    pad = E_PAD - E
    src_p = jnp.concatenate([src, jnp.zeros((pad,), jnp.int32)]).reshape(NW, KB, B)
    dst_p = jnp.concatenate([dst, jnp.full((pad,), N, jnp.int32)]).reshape(NW, KB, B)
    x0 = jnp.pad(node_fts, ((0, N_PAD - N), (0, 0)))

    deg = _sc_deg(dst_p)
    deg3 = deg[:, :N_PAD].reshape(NC, N_PAD, 1)
    agg1 = _sc_agg(x0, src_p, dst_p)
    out1 = _tc_layer(agg1, deg3, x0, W_neigh1, W_self1, b1)
    agg2 = _sc_agg(out1, src_p, dst_p)
    out2 = _tc_layer(agg2, deg3, out1, W_neigh2, W_self2, b2)
    return out2[:N]

# --- scband reference (transcript-rebuilt; emitter-appended) ---
"""Pipeline reference for scband-graph-sage-53472342835254 (READ-ONLY COPY).

The authoritative reference and input builder live on the scoring server;
editing this copy changes nothing except your own understanding.
"""

import jax, jax.numpy as jnp
import numpy as np

N = 10000
E = 320000
D = 128


def setup_inputs(seed: int = 0) -> dict:
    key = jax.random.key(seed)
    ks = jax.random.split(key, 9)
    scale = 1.0 / np.sqrt(D)
    node_fts = jax.random.normal(ks[0], (N, D), dtype=jnp.float32)
    edge_index = jax.random.randint(ks[1], (2, E), 0, N, dtype=jnp.int32)
    W_neigh1 = jax.random.normal(ks[2], (D, D), dtype=jnp.float32) * scale
    W_self1 = jax.random.normal(ks[3], (D, D), dtype=jnp.float32) * scale
    b1 = jnp.zeros((D,), dtype=jnp.float32)
    W_neigh2 = jax.random.normal(ks[4], (D, D), dtype=jnp.float32) * scale
    W_self2 = jax.random.normal(ks[5], (D, D), dtype=jnp.float32) * scale
    b2 = jnp.zeros((D,), dtype=jnp.float32)
    return {
        "node_fts": node_fts,
        "edge_index": edge_index,
        "W_neigh1": W_neigh1,
        "W_self1": W_self1,
        "b1": b1,
        "W_neigh2": W_neigh2,
        "W_self2": W_self2,
        "b2": b2,
    }


def sage_conv(x, edge_index, W_neigh, W_self, b):
    # PyG-style SAGEConv with mean aggregation:
    # out = lin_l(mean_{j in N(i)} x_j) + lin_r(x_i) + bias
    src = edge_index[0]
    dst = edge_index[1]
    n = x.shape[0]
    msgs = jnp.take(x, src, axis=0)  # gather source node features per edge
    agg = jax.ops.segment_sum(msgs, dst, num_segments=n)  # scatter-add to dst
    deg = jax.ops.segment_sum(jnp.ones((edge_index.shape[1],), dtype=x.dtype), dst, num_segments=n)
    mean = agg / jnp.maximum(deg, 1.0)[:, None]
    return mean @ W_neigh + x @ W_self + b


def reference(node_fts, edge_index, W_neigh1, W_self1, b1, W_neigh2, W_self2, b2):
    x = sage_conv(node_fts, edge_index, W_neigh1, W_self1, b1)
    x = jax.nn.relu(x)
    x = sage_conv(x, edge_index, W_neigh2, W_self2, b2)
    x = jax.nn.relu(x)
    return x

if __name__ == "__main__":
    import jax
    _d = setup_inputs()
    print(jax.jit(kernel)(*tuple(_d.values())))

</pallas_src>

<mosaic_0001>
#map = affine_map<(d0, d1) -> (0, 0, 0)>
#map1 = affine_map<(d0, d1) -> (0, 0)>
module attributes {stable_mosaic.version = 14 : i64} {
  func.func @_deg_body(%arg0: i32, %arg1: i32, %arg2: memref<32x79x128xi32, #tpu.memory_space<hbm>>, %arg3: memref<2x10240xf32, #tpu.memory_space<hbm>>, %arg4: memref<79x128xi32, #tpu.memory_space<vmem>>, %arg5: memref<640xf32, #tpu.memory_space<vmem>>, %arg6: memref<128xf32, #tpu.memory_space<vmem>>, %arg7: memref<10240xf32, #tpu.memory_space<vmem_shared>>) attributes {dimension_semantics = [#tpu.dimension_semantics<core_parallel>, #tpu.dimension_semantics<subcore_parallel>], iteration_bounds = array<i64: 2, 16>, scalar_prefetch = 0 : i64, scratch_operands = 4 : i64, tpu.core_type = #tpu.core_type<sc_vector_subcore>, window_params = [{transform_indices = #map}, {transform_indices = #map1}]} {
    %mul3A = arith.constant 2 : i32
    %mul3A_0 = arith.muli %arg1, %mul3A : i32
    %add3A = arith.addi %mul3A_0, %arg0 : i32
    %mul3A_1 = arith.constant 640 : i32
    %mul3A_2 = arith.muli %arg1, %mul3A_1 : i32
    %broadcast_in_dim3A = arith.constant 0.000000e+00 : f32
    %broadcast_in_dim3A_3 = vector.broadcast %broadcast_in_dim3A : f32 to vector<16xf32>
    %swap3A = arith.constant 0 : index
    %swap3A_4 = tpu.vector_load %arg5[%swap3A] {strides = array<i32>} : memref<640xf32, #tpu.memory_space<vmem>>, vector<16xf32>,
    %swap3A_5 = vector.shape_cast %swap3A_4 : vector<16xf32> to vector<16xf32>
    %swap3A_6 = vector.shape_cast %broadcast_in_dim3A_3 : vector<16xf32> to vector<16xf32>
    tpu.vector_store %arg5[%swap3A], %swap3A_6 {strides = array<i32>} : memref<640xf32, #tpu.memory_space<vmem>>, vector<16xf32>,
    %swap3A_7 = arith.constant 16 : index
    %swap3A_8 = tpu.vector_load %arg5[%swap3A_7] {strides = array<i32>} : memref<640xf32, #tpu.memory_space<vmem>>, vector<16xf32>,
    %swap3A_9 = vector.shape_cast %swap3A_8 : vector<16xf32> to vector<16xf32>
    %swap3A_10 = vector.shape_cast %broadcast_in_dim3A_3 : vector<16xf32> to vector<16xf32>
    tpu.vector_store %arg5[%swap3A_7], %swap3A_10 {strides = array<i32>} : memref<640xf32, #tpu.memory_space<vmem>>, vector<16xf32>,
    %swap3A_11 = arith.constant 32 : index
    %swap3A_12 = tpu.vector_load %arg5[%swap3A_11] {strides = array<i32>} : memref<640xf32, #tpu.memory_space<vmem>>, vector<16xf32>,
    %swap3A_13 = vector.shape_cast %swap3A_12 : vector<16xf32> to vector<16xf32>
    %swap3A_14 = vector.shape_cast %broadcast_in_dim3A_3 : vector<16xf32> to vector<16xf32>
    tpu.vector_store %arg5[%swap3A_11], %swap3A_14 {strides = array<i32>} : memref<640xf32, #tpu.memory_space<vmem>>, vector<16xf32>,
    %swap3A_15 = arith.constant 48 : index
    %swap3A_16 = tpu.vector_load %arg5[%swap3A_15] {strides = array<i32>} : memref<640xf32, #tpu.memory_space<vmem>>, vector<16xf32>,
    %swap3A_17 = vector.shape_cast %swap3A_16 : vector<16xf32> to vector<16xf32>
    %swap3A_18 = vector.shape_cast %broadcast_in_dim3A_3 : vector<16xf32> to vector<16xf32>
    tpu.vector_store %arg5[%swap3A_15], %swap3A_18 {strides = array<i32>} : memref<640xf32, #tpu.memory_space<vmem>>, vector<16xf32>,
    %swap3A_19 = arith.constant 64 : index
    %swap3A_20 = tpu.vector_load %arg5[%swap3A_19] {strides = array<i32>} : memref<640xf32, #tpu.memory_space<vmem>>, vector<16xf32>,
    %swap3A_21 = vector.shape_cast %swap3A_20 : vector<16xf32> to vector<16xf32>
    %swap3A_22 = vector.shape_cast %broadcast_in_dim3A_3 : vector<16xf32> to vector<16xf32>
    tpu.vector_store %arg5[%swap3A_19], %swap3A_22 {strides = array<i32>} : memref<640xf32, #tpu.memory_space<vmem>>, vector<16xf32>,
    %swap3A_23 = arith.constant 80 : index
    %swap3A_24 = tpu.vector_load %arg5[%swap3A_23] {strides = array<i32>} : memref<640xf32, #tpu.memory_space<vmem>>, vector<16xf32>,
    %swap3A_25 = vector.shape_cast %swap3A_24 : vector<16xf32> to vector<16xf32>
    %swap3A_26 = vector.shape_cast %broadcast_in_dim3A_3 : vector<16xf32> to vector<16xf32>
    tpu.vector_store %arg5[%swap3A_23], %swap3A_26 {strides = array<i32>} : memref<640xf32, #tpu.memory_space<vmem>>, vector<16xf32>,
    %swap3A_27 = arith.constant 96 : index
    %swap3A_28 = tpu.vector_load %arg5[%swap3A_27] {strides = array<i32>} : memref<640xf32, #tpu.memory_space<vmem>>, vector<16xf32>,
    %swap3A_29 = vector.shape_cast %swap3A_28 : vector<16xf32> to vector<16xf32>
    %swap3A_30 = vector.shape_cast %broadcast_in_dim3A_3 : vector<16xf32> to vector<16xf32>
    tpu.vector_store %arg5[%swap3A_27], %swap3A_30 {strides = array<i32>} : memref<640xf32, #tpu.memory_space<vmem>>, vector<16xf32>,
    %swap3A_31 = arith.constant 112 : index
    %swap3A_32 = tpu.vector_load %arg5[%swap3A_31] {strides = array<i32>} : memref<640xf32, #tpu.memory_space<vmem>>, vector<16xf32>,
    %swap3A_33 = vector.shape_cast %swap3A_32 : vector<16xf32> to vector<16xf32>
    %swap3A_34 = vector.shape_cast %broadcast_in_dim3A_3 : vector<16xf32> to vector<16xf32>
    tpu.vector_store %arg5[%swap3A_31], %swap3A_34 {strides = array<i32>} : memref<640xf32, #tpu.memory_space<vmem>>, vector<16xf32>,
    %swap3A_35 = arith.constant 128 : index
    %swap3A_36 = tpu.vector_load %arg5[%swap3A_35] {strides = array<i32>} : memref<640xf32, #tpu.memory_space<vmem>>, vector<16xf32>,
    %swap3A_37 = vector.shape_cast %swap3A_36 : vector<16xf32> to vector<16xf32>
    %swap3A_38 = vector.shape_cast %broadcast_in_dim3A_3 : vector<16xf32> to vector<16xf32>
    tpu.vector_store %arg5[%swap3A_35], %swap3A_38 {strides = array<i32>} : memref<640xf32, #tpu.memory_space<vmem>>, vector<16xf32>,
    %swap3A_39 = arith.constant 144 : index
    %swap3A_40 = tpu.vector_load %arg5[%swap3A_39] {strides = array<i32>} : memref<640xf32, #tpu.memory_space<vmem>>, vector<16xf32>,
    %swap3A_41 = vector.shape_cast %swap3A_40 : vector<16xf32> to vector<16xf32>
    %swap3A_42 = vector.shape_cast %broadcast_in_dim3A_3 : vector<16xf32> to vector<16xf32>
    tpu.vector_store %arg5[%swap3A_39], %swap3A_42 {strides = array<i32>} : memref<640xf32, #tpu.memory_space<vmem>>, vector<16xf32>,
    %swap3A_43 = arith.constant 160 : index
    %swap3A_44 = tpu.vector_load %arg5[%swap3A_43] {strides = array<i32>} : memref<640xf32, #tpu.memory_space<vmem>>, vector<16xf32>,
    %swap3A_45 = vector.shape_cast %swap3A_44 : vector<16xf32> to vector<16xf32>
    %swap3A_46 = vector.shape_cast %broadcast_in_dim3A_3 : vector<16xf32> to vector<16xf32>
    tpu.vector_store %arg5[%swap3A_43], %swap3A_46 {strides = array<i32>} : memref<640xf32, #tpu.memory_space<vmem>>, vector<16xf32>,
    %swap3A_47 = arith.constant 176 : index
    %swap3A_48 = tpu.vector_load %arg5[%swap3A_47] {strides = array<i32>} : memref<640xf32, #tpu.memory_space<vmem>>, vector<16xf32>,
    %swap3A_49 = vector.shape_cast %swap3A_48 : vector<16xf32> to vector<16xf32>
    %swap3A_50 = vector.shape_cast %broadcast_in_dim3A_3 : vector<16xf32> to vector<16xf32>
    tpu.vector_store %arg5[%swap3A_47], %swap3A_50 {strides = array<i32>} : memref<640xf32, #tpu.memory_space<vmem>>, vector<16xf32>,
    %swap3A_51 = arith.constant 192 : index
    %swap3A_52 = tpu.vector_load %arg5[%swap3A_51] {strides = array<i32>} : memref<640xf32, #tpu.memory_space<vmem>>, vector<16xf32>,
    %swap3A_53 = vector.shape_cast %swap3A_52 : vector<16xf32> to vector<16xf32>
    %swap3A_54 = vector.shape_cast %broadcast_in_dim3A_3 : vector<16xf32> to vector<16xf32>
    tpu.vector_store %arg5[%swap3A_51], %swap3A_54 {strides = array<i32>} : memref<640xf32, #tpu.memory_space<vmem>>, vector<16xf32>,
    %swap3A_55 = arith.constant 208 : index
    %swap3A_56 = tpu.vector_load %arg5[%swap3A_55] {strides = array<i32>} : memref<640xf32, #tpu.memory_space<vmem>>, vector<16xf32>,
    %swap3A_57 = vector.shape_cast %swap3A_56 : vector<16xf32> to vector<16xf32>
    %swap3A_58 = vector.shape_cast %broadcast_in_dim3A_3 : vector<16xf32> to vector<16xf32>
    tpu.vector_store %arg5[%swap3A_55], %swap3A_58 {strides = array<i32>} : memref<640xf32, #tpu.memory_space<vmem>>, vector<16xf32>,
    %swap3A_59 = arith.constant 224 : index
    %swap3A_60 = tpu.vector_load %arg5[%swap3A_59] {strides = array<i32>} : memref<640xf32, #tpu.memory_space<vmem>>, vector<16xf32>,
    %swap3A_61 = vector.shape_cast %swap3A_60 : vector<16xf32> to vector<16xf32>
    %swap3A_62 = vector.shape_cast %broadcast_in_dim3A_3 : vector<16xf32> to vector<16xf32>
    tpu.vector_store %arg5[%swap3A_59], %swap3A_62 {strides = array<i32>} : memref<640xf32, #tpu.memory_space<vmem>>, vector<16xf32>,
    %swap3A_63 = arith.constant 240 : index
    %swap3A_64 = tpu.vector_load %arg5[%swap3A_63] {strides = array<i32>} : memref<640xf32, #tpu.memory_space<vmem>>, vector<16xf32>,
    %swap3A_65 = vector.shape_cast %swap3A_64 : vector<16xf32> to vector<16xf32>
    %swap3A_66 = vector.shape_cast %broadcast_in_dim3A_3 : vector<16xf32> to vector<16xf32>
    tpu.vector_store %arg5[%swap3A_63], %swap3A_66 {strides = array<i32>} : memref<640xf32, #tpu.memory_space<vmem>>, vector<16xf32>,
    %swap3A_67 = arith.constant 256 : index
    %swap3A_68 = tpu.vector_load %arg5[%swap3A_67] {strides = array<i32>} : memref<640xf32, #tpu.memory_space<vmem>>, vector<16xf32>,
    %swap3A_69 = vector.shape_cast %swap3A_68 : vector<16xf32> to vector<16xf32>
    %swap3A_70 = vector.shape_cast %broadcast_in_dim3A_3 : vector<16xf32> to vector<16xf32>
    tpu.vector_store %arg5[%swap3A_67], %swap3A_70 {strides = array<i32>} : memref<640xf32, #tpu.memory_space<vmem>>, vector<16xf32>,
    %swap3A_71 = arith.constant 272 : index
    %swap3A_72 = tpu.vector_load %arg5[%swap3A_71] {strides = array<i32>} : memref<640xf32, #tpu.memory_space<vmem>>, vector<16xf32>,
    %swap3A_73 = vector.shape_cast %swap3A_72 : vector<16xf32> to vector<16xf32>
    %swap3A_74 = vector.shape_cast %broadcast_in_dim3A_3 : vector<16xf32> to vector<16xf32>
    tpu.vector_store %arg5[%swap3A_71], %swap3A_74 {strides = array<i32>} : memref<640xf32, #tpu.memory_space<vmem>>, vector<16xf32>,
    %swap3A_75 = arith.constant 288 : index
    %swap3A_76 = tpu.vector_load %arg5[%swap3A_75] {strides = array<i32>} : memref<640xf32, #tpu.memory_space<vmem>>, vector<16xf32>,
    %swap3A_77 = vector.shape_cast %swap3A_76 : vector<16xf32> to vector<16xf32>
    %swap3A_78 = vector.shape_cast %broadcast_in_dim3A_3 : vector<16xf32> to vector<16xf32>
    tpu.vector_store %arg5[%swap3A_75], %swap3A_78 {strides = array<i32>} : memref<640xf32, #tpu.memory_space<vmem>>, vector<16xf32>,
    %swap3A_79 = arith.constant 304 : index
    %swap3A_80 = tpu.vector_load %arg5[%swap3A_79] {strides = array<i32>} : memref<640xf32, #tpu.memory_space<vmem>>, vector<16xf32>,
    %swap3A_81 = vector.shape_cast %swap3A_80 : vector<16xf32> to vector<16xf32>
    %swap3A_82 = vector.shape_cast %broadcast_in_dim3A_3 : vector<16xf32> to vector<16xf32>
    tpu.vector_store %arg5[%swap3A_79], %swap3A_82 {strides = array<i32>} : memref<640xf32, #tpu.memory_space<vmem>>, vector<16xf32>,
    %swap3A_83 = arith.constant 320 : index
    %swap3A_84 = tpu.vector_load %arg5[%swap3A_83] {strides = array<i32>} : memref<640xf32, #tpu.memory_space<vmem>>, vector<16xf32>,
    %swap3A_85 = vector.shape_cast %swap3A_84 : vector<16xf32> to vector<16xf32>
    %swap3A_86 = vector.shape_cast %broadcast_in_dim3A_3 : vector<16xf32> to vector<16xf32>
    tpu.vector_store %arg5[%swap3A_83], %swap3A_86 {strides = array<i32>} : memref<640xf32, #tpu.memory_space<vmem>>, vector<16xf32>,
    %swap3A_87 = arith.constant 336 : index
    %swap3A_88 = tpu.vector_load %arg5[%swap3A_87] {strides = array<i32>} : memref<640xf32, #tpu.memory_space<vmem>>, vector<16xf32>,
    %swap3A_89 = vector.shape_cast %swap3A_88 : vector<16xf32> to vector<16xf32>
    %swap3A_90 = vector.shape_cast %broadcast_in_dim3A_3 : vector<16xf32> to vector<16xf32>
    tpu.vector_store %arg5[%swap3A_87], %swap3A_90 {strides = array<i32>} : memref<640xf32, #tpu.memory_space<vmem>>, vector<16xf32>,
    %swap3A_91 = arith.constant 352 : index
    %swap3A_92 = tpu.vector_load %arg5[%swap3A_91] {strides = array<i32>} : memref<640xf32, #tpu.memory_space<vmem>>, vector<16xf32>,
    %swap3A_93 = vector.shape_cast %swap3A_92 : vector<16xf32> to vector<16xf32>
    %swap3A_94 = vector.shape_cast %broadcast_in_dim3A_3 : vector<16xf32> to vector<16xf32>
    tpu.vector_store %arg5[%swap3A_91], %swap3A_94 {strides = array<i32>} : memref<640xf32, #tpu.memory_space<vmem>>, vector<16xf32>,
    %swap3A_95 = arith.constant 368 : index
    %swap3A_96 = tpu.vector_load %arg5[%swap3A_95] {strides = array<i32>} : memref<640xf32, #tpu.memory_space<vmem>>, vector<16xf32>,
    %swap3A_97 = vector.shape_cast %swap3A_96 : vector<16xf32> to vector<16xf32>
    %swap3A_98 = vector.shape_cast %broadcast_in_dim3A_3 : vector<16xf32> to vector<16xf32>
    tpu.vector_store %arg5[%swap3A_95], %swap3A_98 {strides = array<i32>} : memref<640xf32, #tpu.memory_space<vmem>>, vector<16xf32>,
    %swap3A_99 = arith.constant 384 : index
    %swap3A_100 = tpu.vector_load %arg5[%swap3A_99] {strides = array<i32>} : memref<640xf32, #tpu.memory_space<vmem>>, vector<16xf32>,
    %swap3A_101 = vector.shape_cast %swap3A_100 : vector<16xf32> to vector<16xf32>
    %swap3A_102 = vector.shape_cast %broadcast_in_dim3A_3 : vector<16xf32> to vector<16xf32>
    tpu.vector_store %arg5[%swap3A_99], %swap3A_102 {strides = array<i32>} : memref<640xf32, #tpu.memory_space<vmem>>, vector<16xf32>,
    %swap3A_103 = arith.constant 400 : index
    %swap3A_104 = tpu.vector_load %arg5[%swap3A_103] {strides = array<i32>} : memref<640xf32, #tpu.memory_space<vmem>>, vector<16xf32>,
    %swap3A_105 = vector.shape_cast %swap3A_104 : vector<16xf32> to vector<16xf32>
    %swap3A_106 = vector.shape_cast %broadcast_in_dim3A_3 : vector<16xf32> to vector<16xf32>
    tpu.vector_store %arg5[%swap3A_103], %swap3A_106 {strides = array<i32>} : memref<640xf32, #tpu.memory_space<vmem>>, vector<16xf32>,
    %swap3A_107 = arith.constant 416 : index
    %swap3A_108 = tpu.vector_load %arg5[%swap3A_107] {strides = array<i32>} : memref<640xf32, #tpu.memory_space<vmem>>, vector<16xf32>,
    %swap3A_109 = vector.shape_cast %swap3A_108 : vector<16xf32> to vector<16xf32>
    %swap3A_110 = vector.shape_cast %broadcast_in_dim3A_3 : vector<16xf32> to vector<16xf32>
    tpu.vector_store %arg5[%swap3A_107], %swap3A_110 {strides = array<i32>} : memref<640xf32, #tpu.memory_space<vmem>>, vector<16xf32>,
    %swap3A_111 = arith.constant 432 : index
    %swap3A_112 = tpu.vector_load %arg5[%swap3A_111] {strides = array<i32>} : memref<640xf32, #tpu.memory_space<vmem>>, vector<16xf32>,
    %swap3A_113 = vector.shape_cast %swap3A_112 : vector<16xf32> to vector<16xf32>
    %swap3A_114 = vector.shape_cast %broadcast_in_dim3A_3 : vector<16xf32> to vector<16xf32>
    tpu.vector_store %arg5[%swap3A_111], %swap3A_114 {strides = array<i32>} : memref<640xf32, #tpu.memory_space<vmem>>, vector<16xf32>,
    %swap3A_115 = arith.constant 448 : index
    %swap3A_116 = tpu.vector_load %arg5[%swap3A_115] {strides = array<i32>} : memref<640xf32, #tpu.memory_space<vmem>>, vector<16xf32>,
    %swap3A_117 = vector.shape_cast %swap3A_116 : vector<16xf32> to vector<16xf32>
    %swap3A_118 = vector.shape_cast %broadcast_in_dim3A_3 : vector<16xf32> to vector<16xf32>
    tpu.vector_store %arg5[%swap3A_115], %swap3A_118 {strides = array<i32>} : memref<640xf32, #tpu.memory_space<vmem>>, vector<16xf32>,
    %swap3A_119 = arith.constant 464 : index
    %swap3A_120 = tpu.vector_load %arg5[%swap3A_119] {strides = array<i32>} : memref<640xf32, #tpu.memory_space<vmem>>, vector<16xf32>,
    %swap3A_121 = vector.shape_cast %swap3A_120 : vector<16xf32> to vector<16xf32>
    %swap3A_122 = vector.shape_cast %broadcast_in_dim3A_3 : vector<16xf32> to vector<16xf32>
    tpu.vector_store %arg5[%swap3A_119], %swap3A_122 {strides = array<i32>} : memref<640xf32, #tpu.memory_space<vmem>>, vector<16xf32>,
    %swap3A_123 = arith.constant 480 : index
    %swap3A_124 = tpu.vector_load %arg5[%swap3A_123] {strides = array<i32>} : memref<640xf32, #tpu.memory_space<vmem>>, vector<16xf32>,
    %swap3A_125 = vector.shape_cast %swap3A_124 : vector<16xf32> to vector<16xf32>
    %swap3A_126 = vector.shape_cast %broadcast_in_dim3A_3 : vector<16xf32> to vector<16xf32>
    tpu.vector_store %arg5[%swap3A_123], %swap3A_126 {strides = array<i32>} : memref<640xf32, #tpu.memory_space<vmem>>, vector<16xf32>,
    %swap3A_127 = arith.constant 496 : index
    %swap3A_128 = tpu.vector_load %arg5[%swap3A_127] {strides = array<i32>} : memref<640xf32, #tpu.memory_space<vmem>>, vector<16xf32>,
    %swap3A_129 = vector.shape_cast %swap3A_128 : vector<16xf32> to vector<16xf32>
    %swap3A_130 = vector.shape_cast %broadcast_in_dim3A_3 : vector<16xf32> to vector<16xf32>
    tpu.vector_store %arg5[%swap3A_127], %swap3A_130 {strides = array<i32>} : memref<640xf32, #tpu.memory_space<vmem>>, vector<16xf32>,
    %swap3A_131 = arith.constant 512 : index
    %swap3A_132 = tpu.vector_load %arg5[%swap3A_131] {strides = array<i32>} : memref<640xf32, #tpu.memory_space<vmem>>, vector<16xf32>,
    %swap3A_133 = vector.shape_cast %swap3A_132 : vector<16xf32> to vector<16xf32>
    %swap3A_134 = vector.shape_cast %broadcast_in_dim3A_3 : vector<16xf32> to vector<16xf32>
    tpu.vector_store %arg5[%swap3A_131], %swap3A_134 {strides = array<i32>} : memref<640xf32, #tpu.memory_space<vmem>>, vector<16xf32>,
    %swap3A_135 = arith.constant 528 : index
    %swap3A_136 = tpu.vector_load %arg5[%swap3A_135] {strides = array<i32>} : memref<640xf32, #tpu.memory_space<vmem>>, vector<16xf32>,
    %swap3A_137 = vector.shape_cast %swap3A_136 : vector<16xf32> to vector<16xf32>
    %swap3A_138 = vector.shape_cast %broadcast_in_dim3A_3 : vector<16xf32> to vector<16xf32>
    tpu.vector_store %arg5[%swap3A_135], %swap3A_138 {strides = array<i32>} : memref<640xf32, #tpu.memory_space<vmem>>, vector<16xf32>,
    %swap3A_139 = arith.constant 544 : index
    %swap3A_140 = tpu.vector_load %arg5[%swap3A_139] {strides = array<i32>} : memref<640xf32, #tpu.memory_space<vmem>>, vector<16xf32>,
    %swap3A_141 = vector.shape_cast %swap3A_140 : vector<16xf32> to vector<16xf32>
    %swap3A_142 = vector.shape_cast %broadcast_in_dim3A_3 : vector<16xf32> to vector<16xf32>
    tpu.vector_store %arg5[%swap3A_139], %swap3A_142 {strides = array<i32>} : memref<640xf32, #tpu.memory_space<vmem>>, vector<16xf32>,
    %swap3A_143 = arith.constant 560 : index
    %swap3A_144 = tpu.vector_load %arg5[%swap3A_143] {strides = array<i32>} : memref<640xf32, #tpu.memory_space<vmem>>, vector<16xf32>,
    %swap3A_145 = vector.shape_cast %swap3A_144 : vector<16xf32> to vector<16xf32>
    %swap3A_146 = vector.shape_cast %broadcast_in_dim3A_3 : vector<16xf32> to vector<16xf32>
    tpu.vector_store %arg5[%swap3A_143], %swap3A_146 {strides = array<i32>} : memref<640xf32, #tpu.memory_space<vmem>>, vector<16xf32>,
    %swap3A_147 = arith.constant 576 : index
    %swap3A_148 = tpu.vector_load %arg5[%swap3A_147] {strides = array<i32>} : memref<640xf32, #tpu.memory_space<vmem>>, vector<16xf32>,
    %swap3A_149 = vector.shape_cast %swap3A_148 : vector<16xf32> to vector<16xf32>
    %swap3A_150 = vector.shape_cast %broadcast_in_dim3A_3 : vector<16xf32> to vector<16xf32>
    tpu.vector_store %arg5[%swap3A_147], %swap3A_150 {strides = array<i32>} : memref<640xf32, #tpu.memory_space<vmem>>, vector<16xf32>,
    %swap3A_151 = arith.constant 592 : index
    %swap3A_152 = tpu.vector_load %arg5[%swap3A_151] {strides = array<i32>} : memref<640xf32, #tpu.memory_space<vmem>>, vector<16xf32>,
    %swap3A_153 = vector.shape_cast %swap3A_152 : vector<16xf32> to vector<16xf32>
    %swap3A_154 = vector.shape_cast %broadcast_in_dim3A_3 : vector<16xf32> to vector<16xf32>
    tpu.vector_store %arg5[%swap3A_151], %swap3A_154 {strides = array<i32>} : memref<640xf32, #tpu.memory_space<vmem>>, vector<16xf32>,
    %swap3A_155 = arith.constant 608 : index
    %swap3A_156 = tpu.vector_load %arg5[%swap3A_155] {strides = array<i32>} : memref<640xf32, #tpu.memory_space<vmem>>, vector<16xf32>,
    %swap3A_157 = vector.shape_cast %swap3A_156 : vector<16xf32> to vector<16xf32>
    %swap3A_158 = vector.shape_cast %broadcast_in_dim3A_3 : vector<16xf32> to vector<16xf32>
    tpu.vector_store %arg5[%swap3A_155], %swap3A_158 {strides = array<i32>} : memref<640xf32, #tpu.memory_space<vmem>>, vector<16xf32>,
    %swap3A_159 = arith.constant 624 : index
    %swap3A_160 = tpu.vector_load %arg5[%swap3A_159] {strides = array<i32>} : memref<640xf32, #tpu.memory_space<vmem>>, vector<16xf32>,
    %swap3A_161 = vector.shape_cast %swap3A_160 : vector<16xf32> to vector<16xf32>
    %swap3A_162 = vector.shape_cast %broadcast_in_dim3A_3 : vector<16xf32> to vector<16xf32>
    tpu.vector_store %arg5[%swap3A_159], %swap3A_162 {strides = array<i32>} : memref<640xf32, #tpu.memory_space<vmem>>, vector<16xf32>,
    %broadcast_in_dim3A_163 = arith.constant 1.000000e+00 : f32
    %broadcast_in_dim3A_164 = vector.broadcast %broadcast_in_dim3A_163 : f32 to vector<16xf32>
    %swap3A_165 = arith.constant 0 : index
    %swap3A_166 = tpu.vector_load %arg6[%swap3A_165] {strides = array<i32>} : memref<128xf32, #tpu.memory_space<vmem>>, vector<16xf32>,
    %swap3A_167 = vector.shape_cast %swap3A_166 : vector<16xf32> to vector<16xf32>
    %swap3A_168 = vector.shape_cast %broadcast_in_dim3A_164 : vector<16xf32> to vector<16xf32>
    tpu.vector_store %arg6[%swap3A_165], %swap3A_168 {strides = array<i32>} : memref<128xf32, #tpu.memory_space<vmem>>, vector<16xf32>,
    %swap3A_169 = arith.constant 16 : index
    %swap3A_170 = tpu.vector_load %arg6[%swap3A_169] {strides = array<i32>} : memref<128xf32, #tpu.memory_space<vmem>>, vector<16xf32>,
    %swap3A_171 = vector.shape_cast %swap3A_170 : vector<16xf32> to vector<16xf32>
    %swap3A_172 = vector.shape_cast %broadcast_in_dim3A_164 : vector<16xf32> to vector<16xf32>
    tpu.vector_store %arg6[%swap3A_169], %swap3A_172 {strides = array<i32>} : memref<128xf32, #tpu.memory_space<vmem>>, vector<16xf32>,
    %swap3A_173 = arith.constant 32 : index
    %swap3A_174 = tpu.vector_load %arg6[%swap3A_173] {strides = array<i32>} : memref<128xf32, #tpu.memory_space<vmem>>, vector<16xf32>,
    %swap3A_175 = vector.shape_cast %swap3A_174 : vector<16xf32> to vector<16xf32>
    %swap3A_176 = vector.shape_cast %broadcast_in_dim3A_164 : vector<16xf32> to vector<16xf32>
    tpu.vector_store %arg6[%swap3A_173], %swap3A_176 {strides = array<i32>} : memref<128xf32, #tpu.memory_space<vmem>>, vector<16xf32>,
    %swap3A_177 = arith.constant 48 : index
    %swap3A_178 = tpu.vector_load %arg6[%swap3A_177] {strides = array<i32>} : memref<128xf32, #tpu.memory_space<vmem>>, vector<16xf32>,
    %swap3A_179 = vector.shape_cast %swap3A_178 : vector<16xf32> to vector<16xf32>
    %swap3A_180 = vector.shape_cast %broadcast_in_dim3A_164 : vector<16xf32> to vector<16xf32>
    tpu.vector_store %arg6[%swap3A_177], %swap3A_180 {strides = array<i32>} : memref<128xf32, #tpu.memory_space<vmem>>, vector<16xf32>,
    %swap3A_181 = arith.constant 64 : index
    %swap3A_182 = tpu.vector_load %arg6[%swap3A_181] {strides = array<i32>} : memref<128xf32, #tpu.memory_space<vmem>>, vector<16xf32>,
    %swap3A_183 = vector.shape_cast %swap3A_182 : vector<16xf32> to vector<16xf32>
    %swap3A_184 = vector.shape_cast %broadcast_in_dim3A_164 : vector<16xf32> to vector<16xf32>
    tpu.vector_store %arg6[%swap3A_181], %swap3A_184 {strides = array<i32>} : memref<128xf32, #tpu.memory_space<vmem>>, vector<16xf32>,
    %swap3A_185 = arith.constant 80 : index
    %swap3A_186 = tpu.vector_load %arg6[%swap3A_185] {strides = array<i32>} : memref<128xf32, #tpu.memory_space<vmem>>, vector<16xf32>,
    %swap3A_187 = vector.shape_cast %swap3A_186 : vector<16xf32> to vector<16xf32>
    %swap3A_188 = vector.shape_cast %broadcast_in_dim3A_164 : vector<16xf32> to vector<16xf32>
    tpu.vector_store %arg6[%swap3A_185], %swap3A_188 {strides = array<i32>} : memref<128xf32, #tpu.memory_space<vmem>>, vector<16xf32>,
    %swap3A_189 = arith.constant 96 : index
    %swap3A_190 = tpu.vector_load %arg6[%swap3A_189] {strides = array<i32>} : memref<128xf32, #tpu.memory_space<vmem>>, vector<16xf32>,
    %swap3A_191 = vector.shape_cast %swap3A_190 : vector<16xf32> to vector<16xf32>
    %swap3A_192 = vector.shape_cast %broadcast_in_dim3A_164 : vector<16xf32> to vector<16xf32>
    tpu.vector_store %arg6[%swap3A_189], %swap3A_192 {strides = array<i32>} : memref<128xf32, #tpu.memory_space<vmem>>, vector<16xf32>,
    %swap3A_193 = arith.constant 112 : index
    %swap3A_194 = tpu.vector_load %arg6[%swap3A_193] {strides = array<i32>} : memref<128xf32, #tpu.memory_space<vmem>>, vector<16xf32>,
    %swap3A_195 = vector.shape_cast %swap3A_194 : vector<16xf32> to vector<16xf32>
    %swap3A_196 = vector.shape_cast %broadcast_in_dim3A_164 : vector<16xf32> to vector<16xf32>
    tpu.vector_store %arg6[%swap3A_193], %swap3A_196 {strides = array<i32>} : memref<128xf32, #tpu.memory_space<vmem>>, vector<16xf32>,
    "tpu.region"() ({
      %run_scoped3A = tpu.sem_alloc : memref<!tpu.dma_semaphore, #tpu.memory_space<semaphore_mem>>
      %dma_start3A = tpu.memref_slice %arg7[%mul3A_2] : memref<10240xf32, #tpu.memory_space<vmem_shared>> -> memref<640xf32, #tpu.memory_space<vmem_shared>>
      %dma_start3A_203 = tpu.memref_slice %arg7[%mul3A_2] : memref<10240xf32, #tpu.memory_space<vmem_shared>> -> memref<640xf32, #tpu.memory_space<vmem_shared>>
      tpu.enqueue_dma source(%arg5 : memref<640xf32, #tpu.memory_space<vmem>>) target(%dma_start3A_203 : memref<640xf32, #tpu.memory_space<vmem_shared>>) target_semaphore(%run_scoped3A : memref<!tpu.dma_semaphore, #tpu.memory_space<semaphore_mem>>)
      %dma_wait3A = tpu.memref_slice %arg7[%mul3A_2] : memref<10240xf32, #tpu.memory_space<vmem_shared>> -> memref<640xf32, #tpu.memory_space<vmem_shared>>
      %dma_wait3A_204 = tpu.memref_slice %arg7[%mul3A_2] : memref<10240xf32, #tpu.memory_space<vmem_shared>> -> memref<640xf32, #tpu.memory_space<vmem_shared>>
      tpu.wait_dma2 semaphore(%run_scoped3A : memref<!tpu.dma_semaphore, #tpu.memory_space<semaphore_mem>>) src(%arg5 : memref<640xf32, #tpu.memory_space<vmem>>) dst(%dma_wait3A_204 : memref<640xf32, #tpu.memory_space<vmem_shared>>)
      tpu.yield
    }) : () -> ()
    "tpu.region"() ({
      %run_scoped3A = tpu.sem_alloc : memref<!tpu.dma_semaphore, #tpu.memory_space<semaphore_mem>>
      %dma_start3A = arith.constant 0 : i32
      %dma_start3A_203 = arith.constant 0 : i32
      %dma_start3A_204 = tpu.memref_slice %arg2[%add3A, %dma_start3A, %dma_start3A_203] : memref<32x79x128xi32, #tpu.memory_space<hbm>> -> memref<1x79x128xi32, #tpu.memory_space<hbm>>
      %dma_start3A_205 = tpu.memref_squeeze %dma_start3A_204 : memref<1x79x128xi32, #tpu.memory_space<hbm>> -> memref<79x128xi32, #tpu.memory_space<hbm>>
      %dma_start3A_206 = arith.constant 0 : i32
      %dma_start3A_207 = arith.constant 0 : i32
      %dma_start3A_208 = tpu.memref_slice %arg2[%add3A, %dma_start3A_206, %dma_start3A_207] : memref<32x79x128xi32, #tpu.memory_space<hbm>> -> memref<1x79x128xi32, #tpu.memory_space<hbm>>
      %dma_start3A_209 = tpu.memref_squeeze %dma_start3A_208 : memref<1x79x128xi32, #tpu.memory_space<hbm>> -> memref<79x128xi32, #tpu.memory_space<hbm>>
      tpu.enqueue_dma source(%dma_start3A_209 : memref<79x128xi32, #tpu.memory_space<hbm>>) target(%arg4 : memref<79x128xi32, #tpu.memory_space<vmem>>) target_semaphore(%run_scoped3A : memref<!tpu.dma_semaphore, #tpu.memory_space<semaphore_mem>>)
      %dma_wait3A = arith.constant 0 : i32
      %dma_wait3A_210 = arith.constant 0 : i32
      %dma_wait3A_211 = tpu.memref_slice %arg2[%add3A, %dma_wait3A, %dma_wait3A_210] : memref<32x79x128xi32, #tpu.memory_space<hbm>> -> memref<1x79x128xi32, #tpu.memory_space<hbm>>
      %dma_wait3A_212 = tpu.memref_squeeze %dma_wait3A_211 : memref<1x79x128xi32, #tpu.memory_space<hbm>> -> memref<79x128xi32, #tpu.memory_space<hbm>>
      %dma_wait3A_213 = arith.constant 0 : i32
      %dma_wait3A_214 = arith.constant 0 : i32
      %dma_wait3A_215 = tpu.memref_slice %arg2[%add3A, %dma_wait3A_213, %dma_wait3A_214] : memref<32x79x128xi32, #tpu.memory_space<hbm>> -> memref<1x79x128xi32, #tpu.memory_space<hbm>>
      %dma_wait3A_216 = tpu.memref_squeeze %dma_wait3A_215 : memref<1x79x128xi32, #tpu.memory_space<hbm>> -> memref<79x128xi32, #tpu.memory_space<hbm>>
      tpu.wait_dma2 semaphore(%run_scoped3A : memref<!tpu.dma_semaphore, #tpu.memory_space<semaphore_mem>>) src(%dma_wait3A_216 : memref<79x128xi32, #tpu.memory_space<hbm>>) dst(%arg4 : memref<79x128xi32, #tpu.memory_space<vmem>>)
      tpu.yield
    }) : () -> ()
    %barrier3A = arith.constant 0 : index
    tpu.barrier barrier_id(%barrier3A)
    %scan3A = arith.constant 0 : i32
    %scan3A_197 = arith.constant 0 : i32
    %scan3A_198 = arith.constant 79 : i32
    %scan3A_199 = arith.addi %scan3A_197, %scan3A_198 : i32
    %scan3A_200 = arith.constant 1 : i32
    scf.for %scan3A_203 = %scan3A_197 to %scan3A_199 step %scan3A_200  : i32 {
      "tpu.region"() ({
        %run_scoped3A = tpu.sem_alloc : memref<!tpu.dma_semaphore, #tpu.memory_space<semaphore_mem>>
        %dma_start3A = arith.constant 0 : i32
        %dma_start3A_204 = tpu.memref_slice %arg4[%scan3A_203, %dma_start3A] : memref<79x128xi32, #tpu.memory_space<vmem>> -> memref<1x128xi32, #tpu.memory_space<vmem>>
        %dma_start3A_205 = tpu.memref_squeeze %dma_start3A_204 : memref<1x128xi32, #tpu.memory_space<vmem>> -> memref<128xi32, #tpu.memory_space<vmem>>
        %dma_start3A_206 = arith.constant 0 : i32
        %dma_start3A_207 = tpu.memref_slice %arg7[%dma_start3A_206] : memref<10240xf32, #tpu.memory_space<vmem_shared>> -> memref<10240xf32, #tpu.memory_space<vmem_shared>>
        tpu.enqueue_indirect_dma source(%arg6 : memref<128xf32, #tpu.memory_space<vmem>>) target(%dma_start3A_207 : memref<10240xf32, #tpu.memory_space<vmem_shared>>) offsets(%dma_start3A_205 : memref<128xi32, #tpu.memory_space<vmem>>) semaphore(%run_scoped3A : memref<!tpu.dma_semaphore, #tpu.memory_space<semaphore_mem>>) {add = true}
        %dma_wait3A = arith.constant 0 : i32
        %dma_wait3A_208 = tpu.memref_slice %arg4[%scan3A_203, %dma_wait3A] : memref<79x128xi32, #tpu.memory_space<vmem>> -> memref<1x128xi32, #tpu.memory_space<vmem>>
        %dma_wait3A_209 = tpu.memref_squeeze %dma_wait3A_208 : memref<1x128xi32, #tpu.memory_space<vmem>> -> memref<128xi32, #tpu.memory_space<vmem>>
        %dma_wait3A_210 = arith.constant 0 : i32
        %dma_wait3A_211 = tpu.memref_slice %arg7[%dma_wait3A_210] : memref<10240xf32, #tpu.memory_space<vmem_shared>> -> memref<10240xf32, #tpu.memory_space<vmem_shared>>
        tpu.wait_indirect_dma semaphore(%run_scoped3A : memref<!tpu.dma_semaphore, #tpu.memory_space<semaphore_mem>>) src(%arg6 : memref<128xf32, #tpu.memory_space<vmem>>) dst(%dma_wait3A_211 : memref<10240xf32, #tpu.memory_space<vmem_shared>>)
        tpu.yield
      }) : () -> ()
    }
    %scan3A_201 = arith.constant 79 : i32
    %barrier3A_202 = arith.constant 0 : index
    tpu.barrier barrier_id(%barrier3A_202)
    "tpu.region"() ({
      %run_scoped3A = tpu.sem_alloc : memref<!tpu.dma_semaphore, #tpu.memory_space<semaphore_mem>>
      %dma_start3A = arith.constant 0 : i32
      %dma_start3A_203 = tpu.memref_slice %arg3[%arg0, %dma_start3A] : memref<2x10240xf32, #tpu.memory_space<hbm>> -> memref<1x10240xf32, #tpu.memory_space<hbm>>
      %dma_start3A_204 = tpu.memref_squeeze %dma_start3A_203 : memref<1x10240xf32, #tpu.memory_space<hbm>> -> memref<10240xf32, #tpu.memory_space<hbm>>
      %dma_start3A_205 = tpu.memref_slice %dma_start3A_204[%mul3A_2] : memref<10240xf32, #tpu.memory_space<hbm>> -> memref<640xf32, #tpu.memory_space<hbm>>
      %dma_start3A_206 = tpu.memref_slice %arg7[%mul3A_2] : memref<10240xf32, #tpu.memory_space<vmem_shared>> -> memref<640xf32, #tpu.memory_space<vmem_shared>>
      tpu.enqueue_dma source(%dma_start3A_206 : memref<640xf32, #tpu.memory_space<vmem_shared>>) target(%dma_start3A_205 : memref<640xf32, #tpu.memory_space<hbm>>) target_semaphore(%run_scoped3A : memref<!tpu.dma_semaphore, #tpu.memory_space<semaphore_mem>>)
      %dma_wait3A = arith.constant 0 : i32
      %dma_wait3A_207 = tpu.memref_slice %arg3[%arg0, %dma_wait3A] : memref<2x10240xf32, #tpu.memory_space<hbm>> -> memref<1x10240xf32, #tpu.memory_space<hbm>>
      %dma_wait3A_208 = tpu.memref_squeeze %dma_wait3A_207 : memref<1x10240xf32, #tpu.memory_space<hbm>> -> memref<10240xf32, #tpu.memory_space<hbm>>
      %dma_wait3A_209 = tpu.memref_slice %dma_wait3A_208[%mul3A_2] : memref<10240xf32, #tpu.memory_space<hbm>> -> memref<640xf32, #tpu.memory_space<hbm>>
      %dma_wait3A_210 = tpu.memref_slice %arg7[%mul3A_2] : memref<10240xf32, #tpu.memory_space<vmem_shared>> -> memref<640xf32, #tpu.memory_space<vmem_shared>>
      tpu.wait_dma2 semaphore(%run_scoped3A : memref<!tpu.dma_semaphore, #tpu.memory_space<semaphore_mem>>) src(%dma_wait3A_210 : memref<640xf32, #tpu.memory_space<vmem_shared>>) dst(%dma_wait3A_209 : memref<640xf32, #tpu.memory_space<hbm>>)
      tpu.yield
    }) : () -> ()
    return
  }
}

#map = affine_map<(d0, d1) -> (0, 0)>
#map1 = affine_map<(d0, d1) -> (0, 0, 0)>
module attributes {stable_mosaic.version = 14 : i64} {
  func.func @_agg_body(%arg0: i32, %arg1: i32, %arg2: memref<10240x128xf32, #tpu.memory_space<hbm>>, %arg3: memref<32x79x128xi32, #tpu.memory_space<hbm>>, %arg4: memref<32x79x128xi32, #tpu.memory_space<hbm>>, %arg5: memref<2x10240x128xf32, #tpu.memory_space<hbm>>, %arg6: memref<79x128xi32, #tpu.memory_space<vmem>>, %arg7: memref<79x128xi32, #tpu.memory_space<vmem>>, %arg8: memref<128x128xf32, #tpu.memory_space<vmem>>, %arg9: memref<64x128xf32, #tpu.memory_space<vmem>>, %arg10: memref<10240x128xf32, #tpu.memory_space<vmem_shared>>, %arg11: memref<!tpu.dma_semaphore, #tpu.memory_space<semaphore_mem>>) attributes {dimension_semantics = [#tpu.dimension_semantics<core_parallel>, #tpu.dimension_semantics<subcore_parallel>], iteration_bounds = array<i64: 2, 16>, scalar_prefetch = 0 : i64, scratch_operands = 6 : i64, tpu.core_type = #tpu.core_type<sc_vector_subcore>, window_params = [{transform_indices = #map}, {transform_indices = #map1}, {transform_indices = #map1}, {transform_indices = #map1}]} {
    %mul3A = arith.constant 2 : i32
    %mul3A_0 = arith.muli %arg1, %mul3A : i32
    %add3A = arith.addi %mul3A_0, %arg0 : i32
    %mul3A_1 = arith.constant 640 : i32
    %mul3A_2 = arith.muli %arg1, %mul3A_1 : i32
    %broadcast_in_dim3A = arith.constant 0.000000e+00 : f32
    %broadcast_in_dim3A_3 = vector.broadcast %broadcast_in_dim3A : f32 to vector<16xf32>
    %scan3A = arith.constant 0 : i32
    %scan3A_4 = arith.constant 0 : i32
    %scan3A_5 = arith.constant 64 : i32
    %scan3A_6 = arith.addi %scan3A_4, %scan3A_5 : i32
    %scan3A_7 = arith.constant 1 : i32
    scf.for %scan3A_22 = %scan3A_4 to %scan3A_6 step %scan3A_7  : i32 {
      %swap3A = arith.index_cast %scan3A_22 : i32 to index
      %swap3A_23 = arith.constant 0 : index
      %swap3A_24 = tpu.vector_load %arg9[%swap3A, %swap3A_23] {strides = array<i32>} : memref<64x128xf32, #tpu.memory_space<vmem>>, vector<1x16xf32>,
      %swap3A_25 = vector.shape_cast %swap3A_24 : vector<1x16xf32> to vector<16xf32>
      %swap3A_26 = vector.shape_cast %broadcast_in_dim3A_3 : vector<16xf32> to vector<1x16xf32>
      tpu.vector_store %arg9[%swap3A, %swap3A_23], %swap3A_26 {strides = array<i32>} : memref<64x128xf32, #tpu.memory_space<vmem>>, vector<1x16xf32>,
      %swap3A_27 = arith.index_cast %scan3A_22 : i32 to index
      %swap3A_28 = arith.constant 16 : index
      %swap3A_29 = tpu.vector_load %arg9[%swap3A_27, %swap3A_28] {strides = array<i32>} : memref<64x128xf32, #tpu.memory_space<vmem>>, vector<1x16xf32>,
      %swap3A_30 = vector.shape_cast %swap3A_29 : vector<1x16xf32> to vector<16xf32>
      %swap3A_31 = vector.shape_cast %broadcast_in_dim3A_3 : vector<16xf32> to vector<1x16xf32>
      tpu.vector_store %arg9[%swap3A_27, %swap3A_28], %swap3A_31 {strides = array<i32>} : memref<64x128xf32, #tpu.memory_space<vmem>>, vector<1x16xf32>,
      %swap3A_32 = arith.index_cast %scan3A_22 : i32 to index
      %swap3A_33 = arith.constant 32 : index
      %swap3A_34 = tpu.vector_load %arg9[%swap3A_32, %swap3A_33] {strides = array<i32>} : memref<64x128xf32, #tpu.memory_space<vmem>>, vector<1x16xf32>,
      %swap3A_35 = vector.shape_cast %swap3A_34 : vector<1x16xf32> to vector<16xf32>
      %swap3A_36 = vector.shape_cast %broadcast_in_dim3A_3 : vector<16xf32> to vector<1x16xf32>
      tpu.vector_store %arg9[%swap3A_32, %swap3A_33], %swap3A_36 {strides = array<i32>} : memref<64x128xf32, #tpu.memory_space<vmem>>, vector<1x16xf32>,
      %swap3A_37 = arith.index_cast %scan3A_22 : i32 to index
      %swap3A_38 = arith.constant 48 : index
      %swap3A_39 = tpu.vector_load %arg9[%swap3A_37, %swap3A_38] {strides = array<i32>} : memref<64x128xf32, #tpu.memory_space<vmem>>, vector<1x16xf32>,
      %swap3A_40 = vector.shape_cast %swap3A_39 : vector<1x16xf32> to vector<16xf32>
      %swap3A_41 = vector.shape_cast %broadcast_in_dim3A_3 : vector<16xf32> to vector<1x16xf32>
      tpu.vector_store %arg9[%swap3A_37, %swap3A_38], %swap3A_41 {strides = array<i32>} : memref<64x128xf32, #tpu.memory_space<vmem>>, vector<1x16xf32>,
      %swap3A_42 = arith.index_cast %scan3A_22 : i32 to index
      %swap3A_43 = arith.constant 64 : index
      %swap3A_44 = tpu.vector_load %arg9[%swap3A_42, %swap3A_43] {strides = array<i32>} : memref<64x128xf32, #tpu.memory_space<vmem>>, vector<1x16xf32>,
      %swap3A_45 = vector.shape_cast %swap3A_44 : vector<1x16xf32> to vector<16xf32>
      %swap3A_46 = vector.shape_cast %broadcast_in_dim3A_3 : vector<16xf32> to vector<1x16xf32>
      tpu.vector_store %arg9[%swap3A_42, %swap3A_43], %swap3A_46 {strides = array<i32>} : memref<64x128xf32, #tpu.memory_space<vmem>>, vector<1x16xf32>,
      %swap3A_47 = arith.index_cast %scan3A_22 : i32 to index
      %swap3A_48 = arith.constant 80 : index
      %swap3A_49 = tpu.vector_load %arg9[%swap3A_47, %swap3A_48] {strides = array<i32>} : memref<64x128xf32, #tpu.memory_space<vmem>>, vector<1x16xf32>,
      %swap3A_50 = vector.shape_cast %swap3A_49 : vector<1x16xf32> to vector<16xf32>
      %swap3A_51 = vector.shape_cast %broadcast_in_dim3A_3 : vector<16xf32> to vector<1x16xf32>
      tpu.vector_store %arg9[%swap3A_47, %swap3A_48], %swap3A_51 {strides = array<i32>} : memref<64x128xf32, #tpu.memory_space<vmem>>, vector<1x16xf32>,
      %swap3A_52 = arith.index_cast %scan3A_22 : i32 to index
      %swap3A_53 = arith.constant 96 : index
      %swap3A_54 = tpu.vector_load %arg9[%swap3A_52, %swap3A_53] {strides = array<i32>} : memref<64x128xf32, #tpu.memory_space<vmem>>, vector<1x16xf32>,
      %swap3A_55 = vector.shape_cast %swap3A_54 : vector<1x16xf32> to vector<16xf32>
      %swap3A_56 = vector.shape_cast %broadcast_in_dim3A_3 : vector<16xf32> to vector<1x16xf32>
      tpu.vector_store %arg9[%swap3A_52, %swap3A_53], %swap3A_56 {strides = array<i32>} : memref<64x128xf32, #tpu.memory_space<vmem>>, vector<1x16xf32>,
      %swap3A_57 = arith.index_cast %scan3A_22 : i32 to index
      %swap3A_58 = arith.constant 112 : index
      %swap3A_59 = tpu.vector_load %arg9[%swap3A_57, %swap3A_58] {strides = array<i32>} : memref<64x128xf32, #tpu.memory_space<vmem>>, vector<1x16xf32>,
      %swap3A_60 = vector.shape_cast %swap3A_59 : vector<1x16xf32> to vector<16xf32>
      %swap3A_61 = vector.shape_cast %broadcast_in_dim3A_3 : vector<16xf32> to vector<1x16xf32>
      tpu.vector_store %arg9[%swap3A_57, %swap3A_58], %swap3A_61 {strides = array<i32>} : memref<64x128xf32, #tpu.memory_space<vmem>>, vector<1x16xf32>,
    }
    %scan3A_8 = arith.constant 64 : i32
    %scan3A_9 = arith.constant 0 : i32
    %scan3A_10 = arith.constant 0 : i32
    %scan3A_11 = arith.constant 10 : i32
    %scan3A_12 = arith.addi %scan3A_10, %scan3A_11 : i32
    %scan3A_13 = arith.constant 1 : i32
    scf.for %scan3A_22 = %scan3A_10 to %scan3A_12 step %scan3A_13  : i32 {
      %mul3A_23 = arith.constant 64 : i32
      %mul3A_24 = arith.muli %scan3A_22, %mul3A_23 : i32
      %add3A_25 = arith.addi %mul3A_2, %mul3A_24 : i32
      "tpu.region"() ({
        %run_scoped3A = tpu.sem_alloc : memref<!tpu.dma_semaphore, #tpu.memory_space<semaphore_mem>>
        %dma_start3A = arith.constant 0 : i32
        %dma_start3A_26 = tpu.memref_slice %arg10[%add3A_25, %dma_start3A] : memref<10240x128xf32, #tpu.memory_space<vmem_shared>> -> memref<64x128xf32, #tpu.memory_space<vmem_shared>>
        %dma_start3A_27 = arith.constant 0 : i32
        %dma_start3A_28 = tpu.memref_slice %arg10[%add3A_25, %dma_start3A_27] : memref<10240x128xf32, #tpu.memory_space<vmem_shared>> -> memref<64x128xf32, #tpu.memory_space<vmem_shared>>
        tpu.enqueue_dma source(%arg9 : memref<64x128xf32, #tpu.memory_space<vmem>>) target(%dma_start3A_28 : memref<64x128xf32, #tpu.memory_space<vmem_shared>>) target_semaphore(%run_scoped3A : memref<!tpu.dma_semaphore, #tpu.memory_space<semaphore_mem>>)
        %dma_wait3A = arith.constant 0 : i32
        %dma_wait3A_29 = tpu.memref_slice %arg10[%add3A_25, %dma_wait3A] : memref<10240x128xf32, #tpu.memory_space<vmem_shared>> -> memref<64x128xf32, #tpu.memory_space<vmem_shared>>
        %dma_wait3A_30 = arith.constant 0 : i32
        %dma_wait3A_31 = tpu.memref_slice %arg10[%add3A_25, %dma_wait3A_30] : memref<10240x128xf32, #tpu.memory_space<vmem_shared>> -> memref<64x128xf32, #tpu.memory_space<vmem_shared>>
        tpu.wait_dma2 semaphore(%run_scoped3A : memref<!tpu.dma_semaphore, #tpu.memory_space<semaphore_mem>>) src(%arg9 : memref<64x128xf32, #tpu.memory_space<vmem>>) dst(%dma_wait3A_31 : memref<64x128xf32, #tpu.memory_space<vmem_shared>>)
        tpu.yield
      }) : () -> ()
    }
    %scan3A_14 = arith.constant 10 : i32
    %barrier3A = arith.constant 0 : index
    tpu.barrier barrier_id(%barrier3A)
    "tpu.region"() ({
      %run_scoped3A = tpu.sem_alloc : memref<!tpu.dma_semaphore, #tpu.memory_space<semaphore_mem>>
      %dma_start3A = arith.constant 0 : i32
      %dma_start3A_22 = arith.constant 0 : i32
      %dma_start3A_23 = tpu.memref_slice %arg3[%add3A, %dma_start3A, %dma_start3A_22] : memref<32x79x128xi32, #tpu.memory_space<hbm>> -> memref<1x79x128xi32, #tpu.memory_space<hbm>>
      %dma_start3A_24 = tpu.memref_squeeze %dma_start3A_23 : memref<1x79x128xi32, #tpu.memory_space<hbm>> -> memref<79x128xi32, #tpu.memory_space<hbm>>
      %dma_start3A_25 = arith.constant 0 : i32
      %dma_start3A_26 = arith.constant 0 : i32
      %dma_start3A_27 = tpu.memref_slice %arg3[%add3A, %dma_start3A_25, %dma_start3A_26] : memref<32x79x128xi32, #tpu.memory_space<hbm>> -> memref<1x79x128xi32, #tpu.memory_space<hbm>>
      %dma_start3A_28 = tpu.memref_squeeze %dma_start3A_27 : memref<1x79x128xi32, #tpu.memory_space<hbm>> -> memref<79x128xi32, #tpu.memory_space<hbm>>
      tpu.enqueue_dma source(%dma_start3A_28 : memref<79x128xi32, #tpu.memory_space<hbm>>) target(%arg6 : memref<79x128xi32, #tpu.memory_space<vmem>>) target_semaphore(%run_scoped3A : memref<!tpu.dma_semaphore, #tpu.memory_space<semaphore_mem>>)
      %dma_wait3A = arith.constant 0 : i32
      %dma_wait3A_29 = arith.constant 0 : i32
      %dma_wait3A_30 = tpu.memref_slice %arg3[%add3A, %dma_wait3A, %dma_wait3A_29] : memref<32x79x128xi32, #tpu.memory_space<hbm>> -> memref<1x79x128xi32, #tpu.memory_space<hbm>>
      %dma_wait3A_31 = tpu.memref_squeeze %dma_wait3A_30 : memref<1x79x128xi32, #tpu.memory_space<hbm>> -> memref<79x128xi32, #tpu.memory_space<hbm>>
      %dma_wait3A_32 = arith.constant 0 : i32
      %dma_wait3A_33 = arith.constant 0 : i32
      %dma_wait3A_34 = tpu.memref_slice %arg3[%add3A, %dma_wait3A_32, %dma_wait3A_33] : memref<32x79x128xi32, #tpu.memory_space<hbm>> -> memref<1x79x128xi32, #tpu.memory_space<hbm>>
      %dma_wait3A_35 = tpu.memref_squeeze %dma_wait3A_34 : memref<1x79x128xi32, #tpu.memory_space<hbm>> -> memref<79x128xi32, #tpu.memory_space<hbm>>
      tpu.wait_dma2 semaphore(%run_scoped3A : memref<!tpu.dma_semaphore, #tpu.memory_space<semaphore_mem>>) src(%dma_wait3A_35 : memref<79x128xi32, #tpu.memory_space<hbm>>) dst(%arg6 : memref<79x128xi32, #tpu.memory_space<vmem>>)
      tpu.yield
    }) : () -> ()
    "tpu.region"() ({
      %run_scoped3A = tpu.sem_alloc : memref<!tpu.dma_semaphore, #tpu.memory_space<semaphore_mem>>
      %dma_start3A = arith.constant 0 : i32
      %dma_start3A_22 = arith.constant 0 : i32
      %dma_start3A_23 = tpu.memref_slice %arg4[%add3A, %dma_start3A, %dma_start3A_22] : memref<32x79x128xi32, #tpu.memory_space<hbm>> -> memref<1x79x128xi32, #tpu.memory_space<hbm>>
      %dma_start3A_24 = tpu.memref_squeeze %dma_start3A_23 : memref<1x79x128xi32, #tpu.memory_space<hbm>> -> memref<79x128xi32, #tpu.memory_space<hbm>>
      %dma_start3A_25 = arith.constant 0 : i32
      %dma_start3A_26 = arith.constant 0 : i32
      %dma_start3A_27 = tpu.memref_slice %arg4[%add3A, %dma_start3A_25, %dma_start3A_26] : memref<32x79x128xi32, #tpu.memory_space<hbm>> -> memref<1x79x128xi32, #tpu.memory_space<hbm>>
      %dma_start3A_28 = tpu.memref_squeeze %dma_start3A_27 : memref<1x79x128xi32, #tpu.memory_space<hbm>> -> memref<79x128xi32, #tpu.memory_space<hbm>>
      tpu.enqueue_dma source(%dma_start3A_28 : memref<79x128xi32, #tpu.memory_space<hbm>>) target(%arg7 : memref<79x128xi32, #tpu.memory_space<vmem>>) target_semaphore(%run_scoped3A : memref<!tpu.dma_semaphore, #tpu.memory_space<semaphore_mem>>)
      %dma_wait3A = arith.constant 0 : i32
      %dma_wait3A_29 = arith.constant 0 : i32
      %dma_wait3A_30 = tpu.memref_slice %arg4[%add3A, %dma_wait3A, %dma_wait3A_29] : memref<32x79x128xi32, #tpu.memory_space<hbm>> -> memref<1x79x128xi32, #tpu.memory_space<hbm>>
      %dma_wait3A_31 = tpu.memref_squeeze %dma_wait3A_30 : memref<1x79x128xi32, #tpu.memory_space<hbm>> -> memref<79x128xi32, #tpu.memory_space<hbm>>
      %dma_wait3A_32 = arith.constant 0 : i32
      %dma_wait3A_33 = arith.constant 0 : i32
      %dma_wait3A_34 = tpu.memref_slice %arg4[%add3A, %dma_wait3A_32, %dma_wait3A_33] : memref<32x79x128xi32, #tpu.memory_space<hbm>> -> memref<1x79x128xi32, #tpu.memory_space<hbm>>
      %dma_wait3A_35 = tpu.memref_squeeze %dma_wait3A_34 : memref<1x79x128xi32, #tpu.memory_space<hbm>> -> memref<79x128xi32, #tpu.memory_space<hbm>>
      tpu.wait_dma2 semaphore(%run_scoped3A : memref<!tpu.dma_semaphore, #tpu.memory_space<semaphore_mem>>) src(%dma_wait3A_35 : memref<79x128xi32, #tpu.memory_space<hbm>>) dst(%arg7 : memref<79x128xi32, #tpu.memory_space<vmem>>)
      tpu.yield
    }) : () -> ()
    %scan3A_15 = arith.constant 0 : i32
    %scan3A_16 = arith.constant 0 : i32
    %scan3A_17 = arith.constant 79 : i32
    %scan3A_18 = arith.addi %scan3A_16, %scan3A_17 : i32
    %scan3A_19 = arith.constant 1 : i32
    scf.for %scan3A_22 = %scan3A_16 to %scan3A_18 step %scan3A_19  : i32 {
      %dma_start3A = arith.constant 0 : i32
      %dma_start3A_23 = tpu.memref_slice %arg6[%scan3A_22, %dma_start3A] : memref<79x128xi32, #tpu.memory_space<vmem>> -> memref<1x128xi32, #tpu.memory_space<vmem>>
      %dma_start3A_24 = tpu.memref_squeeze %dma_start3A_23 : memref<1x128xi32, #tpu.memory_space<vmem>> -> memref<128xi32, #tpu.memory_space<vmem>>
      %dma_start3A_25 = arith.constant 0 : i32
      %dma_start3A_26 = arith.constant 0 : i32
      %dma_start3A_27 = tpu.memref_slice %arg2[%dma_start3A_25, %dma_start3A_26] : memref<10240x128xf32, #tpu.memory_space<hbm>> -> memref<10240x128xf32, #tpu.memory_space<hbm>>
      tpu.enqueue_indirect_dma source(%dma_start3A_27 : memref<10240x128xf32, #tpu.memory_space<hbm>>) target(%arg8 : memref<128x128xf32, #tpu.memory_space<vmem>>) offsets(%dma_start3A_24 : memref<128xi32, #tpu.memory_space<vmem>>) semaphore(%arg11 : memref<!tpu.dma_semaphore, #tpu.memory_space<semaphore_mem>>)
      %dma_wait3A = arith.constant 0 : i32
      %dma_wait3A_28 = tpu.memref_slice %arg6[%scan3A_22, %dma_wait3A] : memref<79x128xi32, #tpu.memory_space<vmem>> -> memref<1x128xi32, #tpu.memory_space<vmem>>
      %dma_wait3A_29 = tpu.memref_squeeze %dma_wait3A_28 : memref<1x128xi32, #tpu.memory_space<vmem>> -> memref<128xi32, #tpu.memory_space<vmem>>
      %dma_wait3A_30 = arith.constant 0 : i32
      %dma_wait3A_31 = arith.constant 0 : i32
      %dma_wait3A_32 = tpu.memref_slice %arg2[%dma_wait3A_30, %dma_wait3A_31] : memref<10240x128xf32, #tpu.memory_space<hbm>> -> memref<10240x128xf32, #tpu.memory_space<hbm>>
      tpu.wait_indirect_dma semaphore(%arg11 : memref<!tpu.dma_semaphore, #tpu.memory_space<semaphore_mem>>) src(%dma_wait3A_32 : memref<10240x128xf32, #tpu.memory_space<hbm>>) dst(%arg8 : memref<128x128xf32, #tpu.memory_space<vmem>>)
      "tpu.region"() ({
        %run_scoped3A = tpu.sem_alloc : memref<!tpu.dma_semaphore, #tpu.memory_space<semaphore_mem>>
        %dma_start3A_33 = arith.constant 0 : i32
        %dma_start3A_34 = tpu.memref_slice %arg7[%scan3A_22, %dma_start3A_33] : memref<79x128xi32, #tpu.memory_space<vmem>> -> memref<1x128xi32, #tpu.memory_space<vmem>>
        %dma_start3A_35 = tpu.memref_squeeze %dma_start3A_34 : memref<1x128xi32, #tpu.memory_space<vmem>> -> memref<128xi32, #tpu.memory_space<vmem>>
        %dma_start3A_36 = arith.constant 0 : i32
        %dma_start3A_37 = arith.constant 0 : i32
        %dma_start3A_38 = tpu.memref_slice %arg10[%dma_start3A_36, %dma_start3A_37] : memref<10240x128xf32, #tpu.memory_space<vmem_shared>> -> memref<10240x128xf32, #tpu.memory_space<vmem_shared>>
        tpu.enqueue_indirect_dma source(%arg8 : memref<128x128xf32, #tpu.memory_space<vmem>>) target(%dma_start3A_38 : memref<10240x128xf32, #tpu.memory_space<vmem_shared>>) offsets(%dma_start3A_35 : memref<128xi32, #tpu.memory_space<vmem>>) semaphore(%run_scoped3A : memref<!tpu.dma_semaphore, #tpu.memory_space<semaphore_mem>>) {add = true}
        %dma_wait3A_39 = arith.constant 0 : i32
        %dma_wait3A_40 = tpu.memref_slice %arg7[%scan3A_22, %dma_wait3A_39] : memref<79x128xi32, #tpu.memory_space<vmem>> -> memref<1x128xi32, #tpu.memory_space<vmem>>
        %dma_wait3A_41 = tpu.memref_squeeze %dma_wait3A_40 : memref<1x128xi32, #tpu.memory_space<vmem>> -> memref<128xi32, #tpu.memory_space<vmem>>
        %dma_wait3A_42 = arith.constant 0 : i32
        %dma_wait3A_43 = arith.constant 0 : i32
        %dma_wait3A_44 = tpu.memref_slice %arg10[%dma_wait3A_42, %dma_wait3A_43] : memref<10240x128xf32, #tpu.memory_space<vmem_shared>> -> memref<10240x128xf32, #tpu.memory_space<vmem_shared>>
        tpu.wait_indirect_dma semaphore(%run_scoped3A : memref<!tpu.dma_semaphore, #tpu.memory_space<semaphore_mem>>) src(%arg8 : memref<128x128xf32, #tpu.memory_space<vmem>>) dst(%dma_wait3A_44 : memref<10240x128xf32, #tpu.memory_space<vmem_shared>>)
        tpu.yield
      }) : () -> ()
    }
    %scan3A_20 = arith.constant 79 : i32
    %barrier3A_21 = arith.constant 0 : index
    tpu.barrier barrier_id(%barrier3A_21)
    "tpu.region"() ({
      %run_scoped3A = tpu.sem_alloc : memref<!tpu.dma_semaphore, #tpu.memory_space<semaphore_mem>>
      %dma_start3A = arith.constant 0 : i32
      %dma_start3A_22 = arith.constant 0 : i32
      %dma_start3A_23 = tpu.memref_slice %arg5[%arg0, %dma_start3A, %dma_start3A_22] : memref<2x10240x128xf32, #tpu.memory_space<hbm>> -> memref<1x10240x128xf32, #tpu.memory_space<hbm>>
      %dma_start3A_24 = tpu.memref_squeeze %dma_start3A_23 : memref<1x10240x128xf32, #tpu.memory_space<hbm>> -> memref<10240x128xf32, #tpu.memory_space<hbm>>
      %dma_start3A_25 = arith.constant 0 : i32
      %dma_start3A_26 = tpu.memref_slice %dma_start3A_24[%mul3A_2, %dma_start3A_25] : memref<10240x128xf32, #tpu.memory_space<hbm>> -> memref<640x128xf32, #tpu.memory_space<hbm>>
      %dma_start3A_27 = arith.constant 0 : i32
      %dma_start3A_28 = tpu.memref_slice %arg10[%mul3A_2, %dma_start3A_27] : memref<10240x128xf32, #tpu.memory_space<vmem_shared>> -> memref<640x128xf32, #tpu.memory_space<vmem_shared>>
      tpu.enqueue_dma source(%dma_start3A_28 : memref<640x128xf32, #tpu.memory_space<vmem_shared>>) target(%dma_start3A_26 : memref<640x128xf32, #tpu.memory_space<hbm>>) target_semaphore(%run_scoped3A : memref<!tpu.dma_semaphore, #tpu.memory_space<semaphore_mem>>)
      %dma_wait3A = arith.constant 0 : i32
      %dma_wait3A_29 = arith.constant 0 : i32
      %dma_wait3A_30 = tpu.memref_slice %arg5[%arg0, %dma_wait3A, %dma_wait3A_29] : memref<2x10240x128xf32, #tpu.memory_space<hbm>> -> memref<1x10240x128xf32, #tpu.memory_space<hbm>>
      %dma_wait3A_31 = tpu.memref_squeeze %dma_wait3A_30 : memref<1x10240x128xf32, #tpu.memory_space<hbm>> -> memref<10240x128xf32, #tpu.memory_space<hbm>>
      %dma_wait3A_32 = arith.constant 0 : i32
      %dma_wait3A_33 = tpu.memref_slice %dma_wait3A_31[%mul3A_2, %dma_wait3A_32] : memref<10240x128xf32, #tpu.memory_space<hbm>> -> memref<640x128xf32, #tpu.memory_space<hbm>>
      %dma_wait3A_34 = arith.constant 0 : i32
      %dma_wait3A_35 = tpu.memref_slice %arg10[%mul3A_2, %dma_wait3A_34] : memref<10240x128xf32, #tpu.memory_space<vmem_shared>> -> memref<640x128xf32, #tpu.memory_space<vmem_shared>>
      tpu.wait_dma2 semaphore(%run_scoped3A : memref<!tpu.dma_semaphore, #tpu.memory_space<semaphore_mem>>) src(%dma_wait3A_35 : memref<640x128xf32, #tpu.memory_space<vmem_shared>>) dst(%dma_wait3A_33 : memref<640x128xf32, #tpu.memory_space<hbm>>)
      tpu.yield
    }) : () -> ()
    return
  }
}

#map = affine_map<(d0, d1) -> (0, 0)>
#map1 = affine_map<(d0, d1) -> (0, 0, 0)>
module attributes {stable_mosaic.version = 14 : i64} {
  func.func @_agg_body(%arg0: i32, %arg1: i32, %arg2: memref<10240x128xf32, #tpu.memory_space<hbm>>, %arg3: memref<32x79x128xi32, #tpu.memory_space<hbm>>, %arg4: memref<32x79x128xi32, #tpu.memory_space<hbm>>, %arg5: memref<2x10240x128xf32, #tpu.memory_space<hbm>>, %arg6: memref<79x128xi32, #tpu.memory_space<vmem>>, %arg7: memref<79x128xi32, #tpu.memory_space<vmem>>, %arg8: memref<128x128xf32, #tpu.memory_space<vmem>>, %arg9: memref<64x128xf32, #tpu.memory_space<vmem>>, %arg10: memref<10240x128xf32, #tpu.memory_space<vmem_shared>>, %arg11: memref<!tpu.dma_semaphore, #tpu.memory_space<semaphore_mem>>) attributes {dimension_semantics = [#tpu.dimension_semantics<core_parallel>, #tpu.dimension_semantics<subcore_parallel>], iteration_bounds = array<i64: 2, 16>, scalar_prefetch = 0 : i64, scratch_operands = 6 : i64, tpu.core_type = #tpu.core_type<sc_vector_subcore>, window_params = [{transform_indices = #map}, {transform_indices = #map1}, {transform_indices = #map1}, {transform_indices = #map1}]} {
    %mul3A = arith.constant 2 : i32
    %mul3A_0 = arith.muli %arg1, %mul3A : i32
    %add3A = arith.addi %mul3A_0, %arg0 : i32
    %mul3A_1 = arith.constant 640 : i32
    %mul3A_2 = arith.muli %arg1, %mul3A_1 : i32
    %broadcast_in_dim3A = arith.constant 0.000000e+00 : f32
    %broadcast_in_dim3A_3 = vector.broadcast %broadcast_in_dim3A : f32 to vector<16xf32>
    %scan3A = arith.constant 0 : i32
    %scan3A_4 = arith.constant 0 : i32
    %scan3A_5 = arith.constant 64 : i32
    %scan3A_6 = arith.addi %scan3A_4, %scan3A_5 : i32
    %scan3A_7 = arith.constant 1 : i32
    scf.for %scan3A_22 = %scan3A_4 to %scan3A_6 step %scan3A_7  : i32 {
      %swap3A = arith.index_cast %scan3A_22 : i32 to index
      %swap3A_23 = arith.constant 0 : index
      %swap3A_24 = tpu.vector_load %arg9[%swap3A, %swap3A_23] {strides = array<i32>} : memref<64x128xf32, #tpu.memory_space<vmem>>, vector<1x16xf32>,
      %swap3A_25 = vector.shape_cast %swap3A_24 : vector<1x16xf32> to vector<16xf32>
      %swap3A_26 = vector.shape_cast %broadcast_in_dim3A_3 : vector<16xf32> to vector<1x16xf32>
      tpu.vector_store %arg9[%swap3A, %swap3A_23], %swap3A_26 {strides = array<i32>} : memref<64x128xf32, #tpu.memory_space<vmem>>, vector<1x16xf32>,
      %swap3A_27 = arith.index_cast %scan3A_22 : i32 to index
      %swap3A_28 = arith.constant 16 : index
      %swap3A_29 = tpu.vector_load %arg9[%swap3A_27, %swap3A_28] {strides = array<i32>} : memref<64x128xf32, #tpu.memory_space<vmem>>, vector<1x16xf32>,
      %swap3A_30 = vector.shape_cast %swap3A_29 : vector<1x16xf32> to vector<16xf32>
      %swap3A_31 = vector.shape_cast %broadcast_in_dim3A_3 : vector<16xf32> to vector<1x16xf32>
      tpu.vector_store %arg9[%swap3A_27, %swap3A_28], %swap3A_31 {strides = array<i32>} : memref<64x128xf32, #tpu.memory_space<vmem>>, vector<1x16xf32>,
      %swap3A_32 = arith.index_cast %scan3A_22 : i32 to index
      %swap3A_33 = arith.constant 32 : index
      %swap3A_34 = tpu.vector_load %arg9[%swap3A_32, %swap3A_33] {strides = array<i32>} : memref<64x128xf32, #tpu.memory_space<vmem>>, vector<1x16xf32>,
      %swap3A_35 = vector.shape_cast %swap3A_34 : vector<1x16xf32> to vector<16xf32>
      %swap3A_36 = vector.shape_cast %broadcast_in_dim3A_3 : vector<16xf32> to vector<1x16xf32>
      tpu.vector_store %arg9[%swap3A_32, %swap3A_33], %swap3A_36 {strides = array<i32>} : memref<64x128xf32, #tpu.memory_space<vmem>>, vector<1x16xf32>,
      %swap3A_37 = arith.index_cast %scan3A_22 : i32 to index
      %swap3A_38 = arith.constant 48 : index
      %swap3A_39 = tpu.vector_load %arg9[%swap3A_37, %swap3A_38] {strides = array<i32>} : memref<64x128xf32, #tpu.memory_space<vmem>>, vector<1x16xf32>,
      %swap3A_40 = vector.shape_cast %swap3A_39 : vector<1x16xf32> to vector<16xf32>
      %swap3A_41 = vector.shape_cast %broadcast_in_dim3A_3 : vector<16xf32> to vector<1x16xf32>
      tpu.vector_store %arg9[%swap3A_37, %swap3A_38], %swap3A_41 {strides = array<i32>} : memref<64x128xf32, #tpu.memory_space<vmem>>, vector<1x16xf32>,
      %swap3A_42 = arith.index_cast %scan3A_22 : i32 to index
      %swap3A_43 = arith.constant 64 : index
      %swap3A_44 = tpu.vector_load %arg9[%swap3A_42, %swap3A_43] {strides = array<i32>} : memref<64x128xf32, #tpu.memory_space<vmem>>, vector<1x16xf32>,
      %swap3A_45 = vector.shape_cast %swap3A_44 : vector<1x16xf32> to vector<16xf32>
      %swap3A_46 = vector.shape_cast %broadcast_in_dim3A_3 : vector<16xf32> to vector<1x16xf32>
      tpu.vector_store %arg9[%swap3A_42, %swap3A_43], %swap3A_46 {strides = array<i32>} : memref<64x128xf32, #tpu.memory_space<vmem>>, vector<1x16xf32>,
      %swap3A_47 = arith.index_cast %scan3A_22 : i32 to index
      %swap3A_48 = arith.constant 80 : index
      %swap3A_49 = tpu.vector_load %arg9[%swap3A_47, %swap3A_48] {strides = array<i32>} : memref<64x128xf32, #tpu.memory_space<vmem>>, vector<1x16xf32>,
      %swap3A_50 = vector.shape_cast %swap3A_49 : vector<1x16xf32> to vector<16xf32>
      %swap3A_51 = vector.shape_cast %broadcast_in_dim3A_3 : vector<16xf32> to vector<1x16xf32>
      tpu.vector_store %arg9[%swap3A_47, %swap3A_48], %swap3A_51 {strides = array<i32>} : memref<64x128xf32, #tpu.memory_space<vmem>>, vector<1x16xf32>,
      %swap3A_52 = arith.index_cast %scan3A_22 : i32 to index
      %swap3A_53 = arith.constant 96 : index
      %swap3A_54 = tpu.vector_load %arg9[%swap3A_52, %swap3A_53] {strides = array<i32>} : memref<64x128xf32, #tpu.memory_space<vmem>>, vector<1x16xf32>,
      %swap3A_55 = vector.shape_cast %swap3A_54 : vector<1x16xf32> to vector<16xf32>
      %swap3A_56 = vector.shape_cast %broadcast_in_dim3A_3 : vector<16xf32> to vector<1x16xf32>
      tpu.vector_store %arg9[%swap3A_52, %swap3A_53], %swap3A_56 {strides = array<i32>} : memref<64x128xf32, #tpu.memory_space<vmem>>, vector<1x16xf32>,
      %swap3A_57 = arith.index_cast %scan3A_22 : i32 to index
      %swap3A_58 = arith.constant 112 : index
      %swap3A_59 = tpu.vector_load %arg9[%swap3A_57, %swap3A_58] {strides = array<i32>} : memref<64x128xf32, #tpu.memory_space<vmem>>, vector<1x16xf32>,
      %swap3A_60 = vector.shape_cast %swap3A_59 : vector<1x16xf32> to vector<16xf32>
      %swap3A_61 = vector.shape_cast %broadcast_in_dim3A_3 : vector<16xf32> to vector<1x16xf32>
      tpu.vector_store %arg9[%swap3A_57, %swap3A_58], %swap3A_61 {strides = array<i32>} : memref<64x128xf32, #tpu.memory_space<vmem>>, vector<1x16xf32>,
    }
    %scan3A_8 = arith.constant 64 : i32
    %scan3A_9 = arith.constant 0 : i32
    %scan3A_10 = arith.constant 0 : i32
    %scan3A_11 = arith.constant 10 : i32
    %scan3A_12 = arith.addi %scan3A_10, %scan3A_11 : i32
    %scan3A_13 = arith.constant 1 : i32
    scf.for %scan3A_22 = %scan3A_10 to %scan3A_12 step %scan3A_13  : i32 {
      %mul3A_23 = arith.constant 64 : i32
      %mul3A_24 = arith.muli %scan3A_22, %mul3A_23 : i32
      %add3A_25 = arith.addi %mul3A_2, %mul3A_24 : i32
      "tpu.region"() ({
        %run_scoped3A = tpu.sem_alloc : memref<!tpu.dma_semaphore, #tpu.memory_space<semaphore_mem>>
        %dma_start3A = arith.constant 0 : i32
        %dma_start3A_26 = tpu.memref_slice %arg10[%add3A_25, %dma_start3A] : memref<10240x128xf32, #tpu.memory_space<vmem_shared>> -> memref<64x128xf32, #tpu.memory_space<vmem_shared>>
        %dma_start3A_27 = arith.constant 0 : i32
        %dma_start3A_28 = tpu.memref_slice %arg10[%add3A_25, %dma_start3A_27] : memref<10240x128xf32, #tpu.memory_space<vmem_shared>> -> memref<64x128xf32, #tpu.memory_space<vmem_shared>>
        tpu.enqueue_dma source(%arg9 : memref<64x128xf32, #tpu.memory_space<vmem>>) target(%dma_start3A_28 : memref<64x128xf32, #tpu.memory_space<vmem_shared>>) target_semaphore(%run_scoped3A : memref<!tpu.dma_semaphore, #tpu.memory_space<semaphore_mem>>)
        %dma_wait3A = arith.constant 0 : i32
        %dma_wait3A_29 = tpu.memref_slice %arg10[%add3A_25, %dma_wait3A] : memref<10240x128xf32, #tpu.memory_space<vmem_shared>> -> memref<64x128xf32, #tpu.memory_space<vmem_shared>>
        %dma_wait3A_30 = arith.constant 0 : i32
        %dma_wait3A_31 = tpu.memref_slice %arg10[%add3A_25, %dma_wait3A_30] : memref<10240x128xf32, #tpu.memory_space<vmem_shared>> -> memref<64x128xf32, #tpu.memory_space<vmem_shared>>
        tpu.wait_dma2 semaphore(%run_scoped3A : memref<!tpu.dma_semaphore, #tpu.memory_space<semaphore_mem>>) src(%arg9 : memref<64x128xf32, #tpu.memory_space<vmem>>) dst(%dma_wait3A_31 : memref<64x128xf32, #tpu.memory_space<vmem_shared>>)
        tpu.yield
      }) : () -> ()
    }
    %scan3A_14 = arith.constant 10 : i32
    %barrier3A = arith.constant 0 : index
    tpu.barrier barrier_id(%barrier3A)
    "tpu.region"() ({
      %run_scoped3A = tpu.sem_alloc : memref<!tpu.dma_semaphore, #tpu.memory_space<semaphore_mem>>
      %dma_start3A = arith.constant 0 : i32
      %dma_start3A_22 = arith.constant 0 : i32
      %dma_start3A_23 = tpu.memref_slice %arg3[%add3A, %dma_start3A, %dma_start3A_22] : memref<32x79x128xi32, #tpu.memory_space<hbm>> -> memref<1x79x128xi32, #tpu.memory_space<hbm>>
      %dma_start3A_24 = tpu.memref_squeeze %dma_start3A_23 : memref<1x79x128xi32, #tpu.memory_space<hbm>> -> memref<79x128xi32, #tpu.memory_space<hbm>>
      %dma_start3A_25 = arith.constant 0 : i32
      %dma_start3A_26 = arith.constant 0 : i32
      %dma_start3A_27 = tpu.memref_slice %arg3[%add3A, %dma_start3A_25, %dma_start3A_26] : memref<32x79x128xi32, #tpu.memory_space<hbm>> -> memref<1x79x128xi32, #tpu.memory_space<hbm>>
      %dma_start3A_28 = tpu.memref_squeeze %dma_start3A_27 : memref<1x79x128xi32, #tpu.memory_space<hbm>> -> memref<79x128xi32, #tpu.memory_space<hbm>>
      tpu.enqueue_dma source(%dma_start3A_28 : memref<79x128xi32, #tpu.memory_space<hbm>>) target(%arg6 : memref<79x128xi32, #tpu.memory_space<vmem>>) target_semaphore(%run_scoped3A : memref<!tpu.dma_semaphore, #tpu.memory_space<semaphore_mem>>)
      %dma_wait3A = arith.constant 0 : i32
      %dma_wait3A_29 = arith.constant 0 : i32
      %dma_wait3A_30 = tpu.memref_slice %arg3[%add3A, %dma_wait3A, %dma_wait3A_29] : memref<32x79x128xi32, #tpu.memory_space<hbm>> -> memref<1x79x128xi32, #tpu.memory_space<hbm>>
      %dma_wait3A_31 = tpu.memref_squeeze %dma_wait3A_30 : memref<1x79x128xi32, #tpu.memory_space<hbm>> -> memref<79x128xi32, #tpu.memory_space<hbm>>
      %dma_wait3A_32 = arith.constant 0 : i32
      %dma_wait3A_33 = arith.constant 0 : i32
      %dma_wait3A_34 = tpu.memref_slice %arg3[%add3A, %dma_wait3A_32, %dma_wait3A_33] : memref<32x79x128xi32, #tpu.memory_space<hbm>> -> memref<1x79x128xi32, #tpu.memory_space<hbm>>
      %dma_wait3A_35 = tpu.memref_squeeze %dma_wait3A_34 : memref<1x79x128xi32, #tpu.memory_space<hbm>> -> memref<79x128xi32, #tpu.memory_space<hbm>>
      tpu.wait_dma2 semaphore(%run_scoped3A : memref<!tpu.dma_semaphore, #tpu.memory_space<semaphore_mem>>) src(%dma_wait3A_35 : memref<79x128xi32, #tpu.memory_space<hbm>>) dst(%arg6 : memref<79x128xi32, #tpu.memory_space<vmem>>)
      tpu.yield
    }) : () -> ()
    "tpu.region"() ({
      %run_scoped3A = tpu.sem_alloc : memref<!tpu.dma_semaphore, #tpu.memory_space<semaphore_mem>>
      %dma_start3A = arith.constant 0 : i32
      %dma_start3A_22 = arith.constant 0 : i32
      %dma_start3A_23 = tpu.memref_slice %arg4[%add3A, %dma_start3A, %dma_start3A_22] : memref<32x79x128xi32, #tpu.memory_space<hbm>> -> memref<1x79x128xi32, #tpu.memory_space<hbm>>
      %dma_start3A_24 = tpu.memref_squeeze %dma_start3A_23 : memref<1x79x128xi32, #tpu.memory_space<hbm>> -> memref<79x128xi32, #tpu.memory_space<hbm>>
      %dma_start3A_25 = arith.constant 0 : i32
      %dma_start3A_26 = arith.constant 0 : i32
      %dma_start3A_27 = tpu.memref_slice %arg4[%add3A, %dma_start3A_25, %dma_start3A_26] : memref<32x79x128xi32, #tpu.memory_space<hbm>> -> memref<1x79x128xi32, #tpu.memory_space<hbm>>
      %dma_start3A_28 = tpu.memref_squeeze %dma_start3A_27 : memref<1x79x128xi32, #tpu.memory_space<hbm>> -> memref<79x128xi32, #tpu.memory_space<hbm>>
      tpu.enqueue_dma source(%dma_start3A_28 : memref<79x128xi32, #tpu.memory_space<hbm>>) target(%arg7 : memref<79x128xi32, #tpu.memory_space<vmem>>) target_semaphore(%run_scoped3A : memref<!tpu.dma_semaphore, #tpu.memory_space<semaphore_mem>>)
      %dma_wait3A = arith.constant 0 : i32
      %dma_wait3A_29 = arith.constant 0 : i32
      %dma_wait3A_30 = tpu.memref_slice %arg4[%add3A, %dma_wait3A, %dma_wait3A_29] : memref<32x79x128xi32, #tpu.memory_space<hbm>> -> memref<1x79x128xi32, #tpu.memory_space<hbm>>
      %dma_wait3A_31 = tpu.memref_squeeze %dma_wait3A_30 : memref<1x79x128xi32, #tpu.memory_space<hbm>> -> memref<79x128xi32, #tpu.memory_space<hbm>>
      %dma_wait3A_32 = arith.constant 0 : i32
      %dma_wait3A_33 = arith.constant 0 : i32
      %dma_wait3A_34 = tpu.memref_slice %arg4[%add3A, %dma_wait3A_32, %dma_wait3A_33] : memref<32x79x128xi32, #tpu.memory_space<hbm>> -> memref<1x79x128xi32, #tpu.memory_space<hbm>>
      %dma_wait3A_35 = tpu.memref_squeeze %dma_wait3A_34 : memref<1x79x128xi32, #tpu.memory_space<hbm>> -> memref<79x128xi32, #tpu.memory_space<hbm>>
      tpu.wait_dma2 semaphore(%run_scoped3A : memref<!tpu.dma_semaphore, #tpu.memory_space<semaphore_mem>>) src(%dma_wait3A_35 : memref<79x128xi32, #tpu.memory_space<hbm>>) dst(%arg7 : memref<79x128xi32, #tpu.memory_space<vmem>>)
      tpu.yield
    }) : () -> ()
    %scan3A_15 = arith.constant 0 : i32
    %scan3A_16 = arith.constant 0 : i32
    %scan3A_17 = arith.constant 79 : i32
    %scan3A_18 = arith.addi %scan3A_16, %scan3A_17 : i32
    %scan3A_19 = arith.constant 1 : i32
    scf.for %scan3A_22 = %scan3A_16 to %scan3A_18 step %scan3A_19  : i32 {
      %dma_start3A = arith.constant 0 : i32
      %dma_start3A_23 = tpu.memref_slice %arg6[%scan3A_22, %dma_start3A] : memref<79x128xi32, #tpu.memory_space<vmem>> -> memref<1x128xi32, #tpu.memory_space<vmem>>
      %dma_start3A_24 = tpu.memref_squeeze %dma_start3A_23 : memref<1x128xi32, #tpu.memory_space<vmem>> -> memref<128xi32, #tpu.memory_space<vmem>>
      %dma_start3A_25 = arith.constant 0 : i32
      %dma_start3A_26 = arith.constant 0 : i32
      %dma_start3A_27 = tpu.memref_slice %arg2[%dma_start3A_25, %dma_start3A_26] : memref<10240x128xf32, #tpu.memory_space<hbm>> -> memref<10240x128xf32, #tpu.memory_space<hbm>>
      tpu.enqueue_indirect_dma source(%dma_start3A_27 : memref<10240x128xf32, #tpu.memory_space<hbm>>) target(%arg8 : memref<128x128xf32, #tpu.memory_space<vmem>>) offsets(%dma_start3A_24 : memref<128xi32, #tpu.memory_space<vmem>>) semaphore(%arg11 : memref<!tpu.dma_semaphore, #tpu.memory_space<semaphore_mem>>)
      %dma_wait3A = arith.constant 0 : i32
      %dma_wait3A_28 = tpu.memref_slice %arg6[%scan3A_22, %dma_wait3A] : memref<79x128xi32, #tpu.memory_space<vmem>> -> memref<1x128xi32, #tpu.memory_space<vmem>>
      %dma_wait3A_29 = tpu.memref_squeeze %dma_wait3A_28 : memref<1x128xi32, #tpu.memory_space<vmem>> -> memref<128xi32, #tpu.memory_space<vmem>>
      %dma_wait3A_30 = arith.constant 0 : i32
      %dma_wait3A_31 = arith.constant 0 : i32
      %dma_wait3A_32 = tpu.memref_slice %arg2[%dma_wait3A_30, %dma_wait3A_31] : memref<10240x128xf32, #tpu.memory_space<hbm>> -> memref<10240x128xf32, #tpu.memory_space<hbm>>
      tpu.wait_indirect_dma semaphore(%arg11 : memref<!tpu.dma_semaphore, #tpu.memory_space<semaphore_mem>>) src(%dma_wait3A_32 : memref<10240x128xf32, #tpu.memory_space<hbm>>) dst(%arg8 : memref<128x128xf32, #tpu.memory_space<vmem>>)
      "tpu.region"() ({
        %run_scoped3A = tpu.sem_alloc : memref<!tpu.dma_semaphore, #tpu.memory_space<semaphore_mem>>
        %dma_start3A_33 = arith.constant 0 : i32
        %dma_start3A_34 = tpu.memref_slice %arg7[%scan3A_22, %dma_start3A_33] : memref<79x128xi32, #tpu.memory_space<vmem>> -> memref<1x128xi32, #tpu.memory_space<vmem>>
        %dma_start3A_35 = tpu.memref_squeeze %dma_start3A_34 : memref<1x128xi32, #tpu.memory_space<vmem>> -> memref<128xi32, #tpu.memory_space<vmem>>
        %dma_start3A_36 = arith.constant 0 : i32
        %dma_start3A_37 = arith.constant 0 : i32
        %dma_start3A_38 = tpu.memref_slice %arg10[%dma_start3A_36, %dma_start3A_37] : memref<10240x128xf32, #tpu.memory_space<vmem_shared>> -> memref<10240x128xf32, #tpu.memory_space<vmem_shared>>
        tpu.enqueue_indirect_dma source(%arg8 : memref<128x128xf32, #tpu.memory_space<vmem>>) target(%dma_start3A_38 : memref<10240x128xf32, #tpu.memory_space<vmem_shared>>) offsets(%dma_start3A_35 : memref<128xi32, #tpu.memory_space<vmem>>) semaphore(%run_scoped3A : memref<!tpu.dma_semaphore, #tpu.memory_space<semaphore_mem>>) {add = true}
        %dma_wait3A_39 = arith.constant 0 : i32
        %dma_wait3A_40 = tpu.memref_slice %arg7[%scan3A_22, %dma_wait3A_39] : memref<79x128xi32, #tpu.memory_space<vmem>> -> memref<1x128xi32, #tpu.memory_space<vmem>>
        %dma_wait3A_41 = tpu.memref_squeeze %dma_wait3A_40 : memref<1x128xi32, #tpu.memory_space<vmem>> -> memref<128xi32, #tpu.memory_space<vmem>>
        %dma_wait3A_42 = arith.constant 0 : i32
        %dma_wait3A_43 = arith.constant 0 : i32
        %dma_wait3A_44 = tpu.memref_slice %arg10[%dma_wait3A_42, %dma_wait3A_43] : memref<10240x128xf32, #tpu.memory_space<vmem_shared>> -> memref<10240x128xf32, #tpu.memory_space<vmem_shared>>
        tpu.wait_indirect_dma semaphore(%run_scoped3A : memref<!tpu.dma_semaphore, #tpu.memory_space<semaphore_mem>>) src(%arg8 : memref<128x128xf32, #tpu.memory_space<vmem>>) dst(%dma_wait3A_44 : memref<10240x128xf32, #tpu.memory_space<vmem_shared>>)
        tpu.yield
      }) : () -> ()
    }
    %scan3A_20 = arith.constant 79 : i32
    %barrier3A_21 = arith.constant 0 : index
    tpu.barrier barrier_id(%barrier3A_21)
    "tpu.region"() ({
      %run_scoped3A = tpu.sem_alloc : memref<!tpu.dma_semaphore, #tpu.memory_space<semaphore_mem>>
      %dma_start3A = arith.constant 0 : i32
      %dma_start3A_22 = arith.constant 0 : i32
      %dma_start3A_23 = tpu.memref_slice %arg5[%arg0, %dma_start3A, %dma_start3A_22] : memref<2x10240x128xf32, #tpu.memory_space<hbm>> -> memref<1x10240x128xf32, #tpu.memory_space<hbm>>
      %dma_start3A_24 = tpu.memref_squeeze %dma_start3A_23 : memref<1x10240x128xf32, #tpu.memory_space<hbm>> -> memref<10240x128xf32, #tpu.memory_space<hbm>>
      %dma_start3A_25 = arith.constant 0 : i32
      %dma_start3A_26 = tpu.memref_slice %dma_start3A_24[%mul3A_2, %dma_start3A_25] : memref<10240x128xf32, #tpu.memory_space<hbm>> -> memref<640x128xf32, #tpu.memory_space<hbm>>
      %dma_start3A_27 = arith.constant 0 : i32
      %dma_start3A_28 = tpu.memref_slice %arg10[%mul3A_2, %dma_start3A_27] : memref<10240x128xf32, #tpu.memory_space<vmem_shared>> -> memref<640x128xf32, #tpu.memory_space<vmem_shared>>
      tpu.enqueue_dma source(%dma_start3A_28 : memref<640x128xf32, #tpu.memory_space<vmem_shared>>) target(%dma_start3A_26 : memref<640x128xf32, #tpu.memory_space<hbm>>) target_semaphore(%run_scoped3A : memref<!tpu.dma_semaphore, #tpu.memory_space<semaphore_mem>>)
      %dma_wait3A = arith.constant 0 : i32
      %dma_wait3A_29 = arith.constant 0 : i32
      %dma_wait3A_30 = tpu.memref_slice %arg5[%arg0, %dma_wait3A, %dma_wait3A_29] : memref<2x10240x128xf32, #tpu.memory_space<hbm>> -> memref<1x10240x128xf32, #tpu.memory_space<hbm>>
      %dma_wait3A_31 = tpu.memref_squeeze %dma_wait3A_30 : memref<1x10240x128xf32, #tpu.memory_space<hbm>> -> memref<10240x128xf32, #tpu.memory_space<hbm>>
      %dma_wait3A_32 = arith.constant 0 : i32
      %dma_wait3A_33 = tpu.memref_slice %dma_wait3A_31[%mul3A_2, %dma_wait3A_32] : memref<10240x128xf32, #tpu.memory_space<hbm>> -> memref<640x128xf32, #tpu.memory_space<hbm>>
      %dma_wait3A_34 = arith.constant 0 : i32
      %dma_wait3A_35 = tpu.memref_slice %arg10[%mul3A_2, %dma_wait3A_34] : memref<10240x128xf32, #tpu.memory_space<vmem_shared>> -> memref<640x128xf32, #tpu.memory_space<vmem_shared>>
      tpu.wait_dma2 semaphore(%run_scoped3A : memref<!tpu.dma_semaphore, #tpu.memory_space<semaphore_mem>>) src(%dma_wait3A_35 : memref<640x128xf32, #tpu.memory_space<vmem_shared>>) dst(%dma_wait3A_33 : memref<640x128xf32, #tpu.memory_space<hbm>>)
      tpu.yield
    }) : () -> ()
    return
  }
}

module attributes {stable_mosaic.version = 14 : i64} {
  func.func @_tc_body(%arg0: i32, %arg1: memref<2x512x128xf32, #tpu.memory_space<vmem>>, %arg2: memref<2x512x1xf32, #tpu.memory_space<vmem>>, %arg3: memref<512x128xf32, #tpu.memory_space<vmem>>, %arg4: memref<128x128xf32, #tpu.memory_space<vmem>>, %arg5: memref<128x128xf32, #tpu.memory_space<vmem>>, %arg6: memref<1x128xf32, #tpu.memory_space<vmem>>, %arg7: memref<512x128xf32, #tpu.memory_space<vmem>>) attributes {dimension_semantics = [#tpu.dimension_semantics<arbitrary>], iteration_bounds = array<i64: 20>, scalar_prefetch = 0 : i64, scratch_operands = 0 : i64, tpu.core_type = #tpu.core_type<tc>, window_params = [{transform_indices = @transform_0, window_bounds = array<i64: 2, 512, 128>}, {transform_indices = @transform_1, window_bounds = array<i64: 2, 512, 1>}, {transform_indices = @transform_2, window_bounds = array<i64: 512, 128>}, {pipeline_mode = #tpu.pipeline_mode<synchronous>, transform_indices = @transform_3, window_bounds = array<i64: 128, 128>}, {pipeline_mode = #tpu.pipeline_mode<synchronous>, transform_indices = @transform_4, window_bounds = array<i64: 128, 128>}, {pipeline_mode = #tpu.pipeline_mode<synchronous>, transform_indices = @transform_5, window_bounds = array<i64: 1, 128>}, {transform_indices = @transform_6, window_bounds = array<i64: 512, 128>}]} {
    %get3A = arith.constant 0 : index
    %get3A_0 = arith.constant 0 : index
    %get3A_1 = arith.constant 0 : index
    %get3A_2 = vector.load %arg1[%get3A, %get3A_0, %get3A_1] : memref<2x512x128xf32, #tpu.memory_space<vmem>>, vector<1x512x128xf32>
    %get3A_3 = vector.shape_cast %get3A_2 : vector<1x512x128xf32> to vector<512x128xf32>
    %get3A_4 = arith.constant 1 : index
    %get3A_5 = arith.constant 0 : index
    %get3A_6 = arith.constant 0 : index
    %get3A_7 = vector.load %arg1[%get3A_4, %get3A_5, %get3A_6] : memref<2x512x128xf32, #tpu.memory_space<vmem>>, vector<1x512x128xf32>
    %get3A_8 = vector.shape_cast %get3A_7 : vector<1x512x128xf32> to vector<512x128xf32>
    %add3A = arith.addf %get3A_3, %get3A_8 : vector<512x128xf32>
    %get3A_9 = arith.constant 0 : index
    %get3A_10 = arith.constant 0 : index
    %get3A_11 = arith.constant 0 : index
    %get3A_12 = vector.load %arg2[%get3A_9, %get3A_10, %get3A_11] : memref<2x512x1xf32, #tpu.memory_space<vmem>>, vector<1x512x1xf32>
    %get3A_13 = vector.shape_cast %get3A_12 : vector<1x512x1xf32> to vector<512x1xf32>
    %get3A_14 = arith.constant 1 : index
    %get3A_15 = arith.constant 0 : index
    %get3A_16 = arith.constant 0 : index
    %get3A_17 = vector.load %arg2[%get3A_14, %get3A_15, %get3A_16] : memref<2x512x1xf32, #tpu.memory_space<vmem>>, vector<1x512x1xf32>
    %get3A_18 = vector.shape_cast %get3A_17 : vector<1x512x1xf32> to vector<512x1xf32>
    %add3A_19 = arith.addf %get3A_13, %get3A_18 : vector<512x1xf32>
    %max3A = arith.constant 1.000000e+00 : f32
    %max3A_20 = vector.broadcast %max3A : f32 to vector<512x1xf32>
    %max3A_21 = arith.maximumf %add3A_19, %max3A_20 : vector<512x1xf32>
    %div3A = arith.constant 1.000000e+00 : f32
    %div3A_22 = vector.broadcast %div3A : f32 to vector<512x1xf32>
    %div3A_23 = arith.divf %div3A_22, %max3A_21 : vector<512x1xf32>
    %get3A_24 = arith.constant 0 : index
    %get3A_25 = arith.constant 0 : index
    %get3A_26 = vector.load %arg4[%get3A_24, %get3A_25] : memref<128x128xf32, #tpu.memory_space<vmem>>, vector<128x128xf32>
    %dot_general3A = arith.constant dense<0.000000e+00> : vector<512x128xf32>
    %dot_general3A_27 = tpu.matmul %add3A, %get3A_26, %dot_general3A {dimension_numbers = #tpu.dot_dimension_numbers<[1], [0], [0], [1], [0, 0, 1, 1], [], []>, transpose_lhs_hint = false} : vector<512x128xf32>, vector<128x128xf32>, vector<512x128xf32> -> vector<512x128xf32>
    %mul3A = vector.broadcast %div3A_23 : vector<512x1xf32> to vector<512x128xf32>
    %mul3A_28 = arith.mulf %dot_general3A_27, %mul3A : vector<512x128xf32>
    %get3A_29 = arith.constant 0 : index
    %get3A_30 = arith.constant 0 : index
    %get3A_31 = vector.load %arg3[%get3A_29, %get3A_30] : memref<512x128xf32, #tpu.memory_space<vmem>>, vector<512x128xf32>
    %get3A_32 = arith.constant 0 : index
    %get3A_33 = arith.constant 0 : index
    %get3A_34 = vector.load %arg5[%get3A_32, %get3A_33] : memref<128x128xf32, #tpu.memory_space<vmem>>, vector<128x128xf32>
    %dot_general3A_35 = arith.constant dense<0.000000e+00> : vector<512x128xf32>
    %dot_general3A_36 = tpu.matmul %get3A_31, %get3A_34, %dot_general3A_35 {dimension_numbers = #tpu.dot_dimension_numbers<[1], [0], [0], [1], [0, 0, 1, 1], [], []>, transpose_lhs_hint = false} : vector<512x128xf32>, vector<128x128xf32>, vector<512x128xf32> -> vector<512x128xf32>
    %add3A_37 = arith.addf %mul3A_28, %dot_general3A_36 : vector<512x128xf32>
    %get3A_38 = arith.constant 0 : index
    %get3A_39 = arith.constant 0 : index
    %get3A_40 = vector.load %arg6[%get3A_38, %get3A_39] : memref<1x128xf32, #tpu.memory_space<vmem>>, vector<1x128xf32>
    %add3A_41 = vector.broadcast %get3A_40 : vector<1x128xf32> to vector<512x128xf32>
    %add3A_42 = arith.addf %add3A_37, %add3A_41 : vector<512x128xf32>
    %max3A_43 = arith.constant 0.000000e+00 : f32
    %max3A_44 = vector.broadcast %max3A_43 : f32 to vector<512x128xf32>
    %max3A_45 = arith.maximumf %add3A_42, %max3A_44 : vector<512x128xf32>
    %swap3A = arith.constant 0 : index
    %swap3A_46 = arith.constant 0 : index
    %swap3A_47 = vector.load %arg7[%swap3A, %swap3A_46] : memref<512x128xf32, #tpu.memory_space<vmem>>, vector<512x128xf32>
    tpu.vector_store %arg7[%swap3A, %swap3A_46], %max3A_45 {strides = array<i32>} : memref<512x128xf32, #tpu.memory_space<vmem>>, vector<512x128xf32>,
    return
  }
  func.func @transform_0(%arg0: i32) -> (i32, i32, i32) {
    %c0_i32 = arith.constant 0 : i32
    %c0_i32_0 = arith.constant 0 : i32
    %c0_i32_1 = arith.constant 0 : i32
    return %c0_i32, %arg0, %c0_i32_0 : i32, i32, i32
  }
  func.func @transform_1(%arg0: i32) -> (i32, i32, i32) {
    %c0_i32 = arith.constant 0 : i32
    %c0_i32_0 = arith.constant 0 : i32
    %c0_i32_1 = arith.constant 0 : i32
    return %c0_i32, %arg0, %c0_i32_0 : i32, i32, i32
  }
  func.func @transform_2(%arg0: i32) -> (i32, i32) {
    %c0_i32 = arith.constant 0 : i32
    %c0_i32_0 = arith.constant 0 : i32
    return %arg0, %c0_i32 : i32, i32
  }
  func.func @transform_3(%arg0: i32) -> (i32, i32) {
    %c0_i32 = arith.constant 0 : i32
    %c0_i32_0 = arith.constant 0 : i32
    %c0_i32_1 = arith.constant 0 : i32
    return %c0_i32, %c0_i32_0 : i32, i32
  }
  func.func @transform_4(%arg0: i32) -> (i32, i32) {
    %c0_i32 = arith.constant 0 : i32
    %c0_i32_0 = arith.constant 0 : i32
    %c0_i32_1 = arith.constant 0 : i32
    return %c0_i32, %c0_i32_0 : i32, i32
  }
  func.func @transform_5(%arg0: i32) -> (i32, i32) {
    %c0_i32 = arith.constant 0 : i32
    %c0_i32_0 = arith.constant 0 : i32
    %c0_i32_1 = arith.constant 0 : i32
    return %c0_i32, %c0_i32_0 : i32, i32
  }
  func.func @transform_6(%arg0: i32) -> (i32, i32) {
    %c0_i32 = arith.constant 0 : i32
    %c0_i32_0 = arith.constant 0 : i32
    return %arg0, %c0_i32 : i32, i32
  }
}

</mosaic_0001>

<sc_bundles>
// kernel: kernel.10.cloned.1.call-start
scs
__scs_entry_jumppad:
0x0: {  	(pc) =	sbr.rel $0x88, $3  }
0x1: {  	(tag) =	ssettag $0x0;
	lr =	simm.s32 $0x1  }
0x2: {  	[smem:$0x3F99] =	sst lr;
	_ =	strace $0xD0000000  }
0x3: {  	_ = 	snop  }
0x4: {  	_ = 	snop  }
0x5: {  	_ = 	snop  }
0x6: {  	_ = 	snop  }
0x7: {  	_ = 	snop  }
__scs_overlays_trampoline_lowered:
0x8: {  	[smem:$0x3FA8] =	sst s0  }
0x9: {  	[smem:$0x3FA9] =	sst s1  }
0xa: {  	[smem:$0x3FAA] =	sst s2  }
0xb: {  	[smem:$0x3FAB] =	sst s3  }
0xc: {  	[smem:$0x3FAC] =	sst s4  }
0xd: {  	[smem:$0x3FAD] =	sst s5  }
0xe: {  	[smem:$0x3FAE] =	sst s6  }
0xf: {  	[smem:$0x3FAF] =	sst s7  }
0x10: {  	[smem:$0x3FB0] =	sst s8  }
0x11: {  	[smem:$0x3FB1] =	sst s9;
	s0 =	simm.s32 @!p0 $0x0  }
0x12: {  	s1 =	sld [smem:$0x3F97];
	s0 =	simm.s32 @p0 $0x1  }
0x13: {  	[smem:$0x3FB2] =	sst s0;
	s0 =	simm.s32 @!p1 $0x0  }
0x14: {  	s2 =	sld [smem:$0x3F96];
	s0 =	simm.s32 @p1 $0x1  }
0x15: {  	[smem:$0x3FB3] =	sst s0;
	s0 =	simm.s32 @!p2 $0x0  }
0x16: {  	s3 =	sld [smem:$0x3FDB];
	s0 =	simm.s32 @p2 $0x1  }
0x17: {  	s4 =	simm.s32 $0x1BF5;
	[smem:$0x3FB5] =	sst s0  }
0x18: {  	s0 =	sld [smem:$0x3F98];
	_ =	swait.ge [sflag:s4], $0x0  }
0x19: {  	s7 =	sld [smem:$0x3F99]  }
0x1a: {  	s8 =	sadd.s32 $0xFFFFE003, lr  }
0x1b: {  	s9 =	sadd.s32 $0xFFFFFEF7, lr;
	s5 =	simm.s32 $0xFFFFFFFF;
	p2 =	slt.u32 s8, $0xFFFFF086  }
0x1c: {  	p1 =	slt.u32 s9, $0xF7A;
	s5 =	simm.s32 @!p2 $0x0  }
0x1d: {  	s5 =	simm.s32 @p1 $0x1;
	p0 =	seq.s32 s7, s2  }
0x1e: {  	s7 =	smul.u32 @!p0 $0xF7A, s2;
	p2 =	seq.s32 @!p0 s5, $0x0  }
0x1f: {  	s9 =	smul.u32 $0xF7A, s1;
	s8 =	simm.s32 @!p0 $0x1BF5;
	p2 =	por !p2, p0  }
0x20: {  	[sflag:s8] =	ssyncset.s32 @!p0 $0xFFFFF086;
	s6 =	sadd.s32 @!p0 s3, s7;
	s7 =	simm.s32 @!p0 $0x108  }
0x21: {  	s3 =	sadd.s32 s3, s9;
	s6 =	sadd.s32 @!p0 $0x88, s6;
	s7 =	simm.s32 @p2 $0x1082  }
0x22: {  	[simem:s7], [sflag:s8] =	dma.local @!p0 [hbm:s6], $0xF7A  }
0x23: {  	s9 =	sor.u32 $0xD0000000, s2;
	s6 =	simm.s32 $0x108;
	_ =	swait.ge @!p0 [sflag:s8], $0x0  }
0x24: {  	s3 =	sadd.s32 $0x88, s3;
	s6 =	simm.s32 @!p1 $0x1082;
	[sflag:s4] =	ssyncset.s32 $0xFFFFF086  }
0x25: {  	[simem:s6], [sflag:s4] =	dma.local [hbm:s3], $0xF7A  }
0x26: {  	[smem:$0x3F99] =	sst s1;
	(tag) =	ssettag s2;
	_ =	strace s9  }
0x27: {  	s1 =	sld [smem:$0x3FA9]  }
0x28: {  	s2 =	sld [smem:$0x3FAA]  }
0x29: {  	s4 =	sld [smem:$0x3FAC]  }
0x2a: {  	p0 =	seq.s32 s5, $0x0;
	s5 =	sld [smem:$0x3FAD]  }
0x2b: {  	s6 =	sld [smem:$0x3FAE]  }
0x2c: {  	s7 =	sld [smem:$0x3FAF]  }
0x2d: {  	s3 =	simm.s32 $0x108;
	s8 =	sld [smem:$0x3FB0]  }
0x2e: {  	s3 =	simm.s32 @!p0 $0x1082;
	s9 =	sld [smem:$0x3FB1]  }
0x2f: {  	lr =	sadd.s32 s0, s3;
	s0 =	sld [smem:$0x3FA8]  }
0x30: {  	s3 =	sld [smem:$0x3FAB]  }
0x31: {  	[smem:$0x3FB4] =	sst s10  }
0x32: {  	s10 =	sld [smem:$0x3FB2];
	_ =	sdelay $0x3  }
0x33: {  	p0 =	seq.s32 s10, $0x1;
	s10 =	sld [smem:$0x3FB4];
	_ =	sdelay $0x3  }
0x34: {  	[smem:$0x3FB4] =	sst s10  }
0x35: {  	s10 =	sld [smem:$0x3FB3];
	_ =	sdelay $0x3  }
0x36: {  	p1 =	seq.s32 s10, $0x1;
	s10 =	sld [smem:$0x3FB4];
	_ =	sdelay $0x3  }
0x37: {  	[smem:$0x3FB4] =	sst s10  }
0x38: {  	s10 =	sld [smem:$0x3FB5]  }
0x39: {  	_ = 	snop;
	(pc) =	sbr.ind lr, $3  }
0x3a: {  	_ = 	snop  }
0x3b: {  	_ = 	snop  }
0x3c: {  	p2 =	seq.s32 s10, $0x1;
	s10 =	sld [smem:$0x3FB4]  }
0x3d: {  	_ =	shalt  }
0x3e: {  	_ =	shalt  }
0x3f: {  	_ =	shalt  }
0x40: {  	_ =	shalt  }
0x41: {  	_ =	shalt  }
0x42: {  	_ =	shalt  }
0x43: {  	_ =	shalt  }
0x44: {  	_ =	shalt  }
0x45: {  	_ =	shalt  }
0x46: {  	_ =	shalt  }
0x47: {  	_ =	shalt  }
0x48: {  	_ =	shalt  }
0x49: {  	_ =	shalt  }
0x4a: {  	_ =	shalt  }
0x4b: {  	_ =	shalt  }
0x4c: {  	_ =	shalt  }
0x4d: {  	_ =	shalt  }
0x4e: {  	_ =	shalt  }
0x4f: {  	_ =	shalt  }
0x50: {  	_ =	shalt  }
0x51: {  	_ =	shalt  }
0x52: {  	_ =	shalt  }
0x53: {  	_ =	shalt  }
0x54: {  	_ =	shalt  }
0x55: {  	_ =	shalt  }
0x56: {  	_ =	shalt  }
0x57: {  	_ =	shalt  }
0x58: {  	_ =	shalt  }
0x59: {  	_ =	shalt  }
0x5a: {  	_ =	shalt  }
0x5b: {  	_ =	shalt  }
0x5c: {  	_ =	shalt  }
0x5d: {  	_ =	shalt  }
0x5e: {  	_ =	shalt  }
0x5f: {  	_ =	shalt  }
0x60: {  	_ =	shalt  }
0x61: {  	_ =	shalt  }
0x62: {  	_ =	shalt  }
0x63: {  	_ =	shalt  }
0x64: {  	_ =	shalt  }
0x65: {  	_ =	shalt  }
0x66: {  	_ =	shalt  }
0x67: {  	_ =	shalt  }
0x68: {  	_ =	shalt  }
0x69: {  	_ =	shalt  }
0x6a: {  	_ =	shalt  }
0x6b: {  	_ =	shalt  }
0x6c: {  	_ =	shalt  }
0x6d: {  	_ =	shalt  }
0x6e: {  	_ =	shalt  }
0x6f: {  	_ =	shalt  }
0x70: {  	_ =	shalt  }
0x71: {  	_ =	shalt  }
0x72: {  	_ =	shalt  }
0x73: {  	_ =	shalt  }
0x74: {  	_ =	shalt  }
0x75: {  	_ =	shalt  }
0x76: {  	_ =	shalt  }
0x77: {  	_ =	shalt  }
0x78: {  	_ =	shalt  }
0x79: {  	_ =	shalt  }
0x7a: {  	_ =	shalt  }
0x7b: {  	_ =	shalt  }
0x7c: {  	_ =	shalt  }
0x7d: {  	_ =	shalt  }
0x7e: {  	_ =	shalt  }
0x7f: {  	_ =	shalt  }
0x80: {  	_ =	shalt  }
0x81: {  	_ =	shalt  }
0x82: {  	_ =	shalt  }
0x83: {  	_ =	shalt  }
0x84: {  	_ =	shalt  }
0x85: {  	_ =	shalt  }
0x86: {  	_ =	shalt  }
0x87: {  	_ =	shalt  }
.Lfunc_end0:
.L_simem_size_0:
called_computation.1_lowered:
.L_overlay_start_0:
0x88: {  	s2 =	sld [smem:$0x3FD9]  }
0x89: {  	s3 =	sld [smem:$0x3FFE];
	_ =	sdelay $0x1  }
0x8a: {  	s1 =	srdreg.scid  }
0x8b: {  	s0 =	sand.u32 $0x1, s1  }
0x8c: {  	s17 =	sshll.u32 s0, $0xA;
	s2 =	sadd.s32 s3, s2  }
0x8d: {  	s2 =	sadd.s32 s2, s17  }
0x8e: {  	[smem:$0x3FC0] =	sst s2  }
0x8f: {  	_ = 	snop  }
0x90: {  	s18 =	sld [smem:$0x3FD0];
	(tm) =	ssettm $0x1  }
0x91: {  	s19 =	sld [smem:$0x3FFB];
	_ =	sdelay $0x3  }
0x92: {  	_ =	strace s19  }
0x93: {  	s2 =	sld [smem:$0x3FFC];
	_ =	sdelay $0x3  }
0x94: {  	_ =	strace s2  }
0x95: {  	s2 =	sld [smem:$0x3FFD];
	_ =	sdelay $0x3  }
0x96: {  	_ =	strace s2  }
0x97: {  	_ =	strace $0x8FFFFFFF  }
0x98: {  	s20 =	sld [smem:$0x3FDB];
	_ =	sdelay $0x1  }
0x99: {  	s4 =	simm.s32 $_scs_section_size  }
0x9a: {  	s5 =	simm.s32 $_size__tile_overlayer_lowered;
	s6 =	simm.s32 $_tile_overlayer_lowered  }
0x9b: {  	s7 =	simm.s32 $0x1BFF;
	s21 =	sshll.u32 s6, $0x1;
	s4 =	sadd.s32 s4, s20  }
0x9c: {  	s22 =	simm.s32 $0x0;
	s5 =	sshll.u32 s5, $0x1;
	s6 =	sadd.s32 s21, s4  }
0x9d: {  	[timem:s22], [sflag:s7] =	dma.local [hbm:s6], s5  }
0x9e: {  	_ =	swait.ge [sflag:s7], s5  }
0x9f: {  	s5 =	ssub.s32 $0x0, s5;
	[sflag:s7] =	ssyncset.done $0x0  }
0xa0: {  	[sflag:s7] =	ssyncadd.s32 s5;
	_ =	sdelay $0x1  }
0xa1: {  	s23 =	simm.s32 $0x1B8B  }
0xa2: {  	_ =	swait.ge [sflag:s23], $0x1  }
0xa3: {  	[sflag:s23] =	ssyncset.done $0x0  }
0xa4: {  	[sflag:s23] =	ssyncadd.s32 $0xFFFFFFFF  }
0xa5: {  	s5 =	sld [smem:$0x0]  }
0xa6: {  	s6 =	sand.u32 $0xFFFFFFFE, s1  }
0xa7: {  	p0 =	sne.s32 s1, s6  }
0xa8: {  	s6 =	sshll.u32 @p0 s6, $0xE  }
0xa9: {  	s6 =	sadd.s32 @p0 $0x11B8D, s6;
	s7 =	sshll.u32 @p0 s5, $0x11  }
0xaa: {  	s6 =	sor.u32 @p0 s7, s6  }
0xab: {  	[sflag:s6] =	ssyncadd.remote.s32 @p0 $0x1;
	_ =	sdelay $0x1  }
0xac: {  	s6 =	simm.s32 @p0 $0x1B8D  }
0xad: {  	_ =	swait.eq @p0 [sflag:s6], $0x1  }
0xae: {  	[sflag:s6] =	ssyncadd.s32 @p0 $0xFFFFFFFF  }
0xaf: {  	s7 =	sshll.u32 @!p0 s1, $0xE  }
0xb0: {  	s7 =	sor.u32 @!p0 $0x4000, s7;
	s6 =	simm.s32 @!p0 $0x1B8D  }
0xb1: {  	s5 =	sshll.u32 @!p0 s5, $0x11;
	s7 =	sadd.s32 @!p0 $0x11B8D, s7;
	_ =	swait.eq @!p0 [sflag:s6], $0x1  }
0xb2: {  	s5 =	sor.u32 @!p0 s5, s7;
	[sflag:s6] =	ssyncadd.s32 @!p0 $0xFFFFFFFF  }
0xb3: {  	s25 =	simm.s32 $0x1B8E;
	s24 =	sld [smem:$0x3FFE];
	[sflag:s5] =	ssyncadd.remote.s32 @!p0 $0x1  }
0xb4: {  	s26 =	simm.s32 $execute0_lowered;
	[smem:$0x3FD2] =	sst s25  }
0xb5: {  	s6 =	sshll.u32 s26, $0x1;
	_ =	strace $0x80000049;
	[dreg:$0x1] =	wrdreg $0xFFFFFFFF  }
0xb6: {  	s28 =	simm.s32 $_size_execute0_lowered;
	s4 =	sadd.s32 s4, s6;
	[dreg:$0x0] =	wrdreg $0x0  }
0xb7: {  	s6 =	sshll.u32 s28, $0x1;
	[dreg:$0x2] =	wrdreg s4  }
0xb8: {  	[dreg:$0x3] =	wrdreg s6  }
0xb9: {  	[dreg:$0x4] =	wrdreg $0xC0  }
0xba: {  	_ =	task [dreg:s22], $0x5FFFF  }
0xbb: {  	[dreg:$0x1] =	wrdreg $0xFFFFFFFF  }
0xbc: {  	[dreg:$0x0] =	wrdreg $0x60  }
0xbd: {  	[dreg:$0x2] =	wrdreg s24  }
0xbe: {  	[dreg:$0x3] =	wrdreg s18  }
0xbf: {  	[dreg:$0x4] =	wrdreg $0xB0000  }
0xc0: {  	[dreg:$0x5] =	wrdreg $0xA  }
0xc1: {  	_ =	task.clear_ibuf [dreg:s22], $0x6FFFF;
	_ =	strace $0x90000049  }
0xc2: {  	s29 =	simm.s32 $0xA;
	_ =	strace $0x8000004B  }
0xc3: {  	_ =	swait.ge [sflag:s29], $0x1  }
0xc4: {  	[sflag:s29] =	ssyncadd.s32 $0xFFFFFFFF  }
0xc5: {  	_ =	strace $0x9000004B  }
0xc6: {  	_ =	sfence  }
0xc7: {  	s30 =	sld [smem:$0x0];
	_ =	sdelay $0x2  }
0xc8: {  	s31 =	sshll.u32 s1, $0xD;
	s1 =	sshrl.u32 s1, $0x2  }
0xc9: {  	s4 =	sand.u32 $0x4000, s31;
	s1 =	sadd.s32 s1, s30  }
0xca: {  	s0 =	sor.u32 s4, s0;
	s1 =	sshll.u32 s1, $0x11  }
0xcb: {  	s0 =	sor.u32 s1, s0  }
0xcc: {  	s0 =	sadd.s32 $0x8F2B, s0  }
0xcd: {  	[sflag:s0] =	ssyncadd.remote.s32 $0x1  }
0xce: {  	_ =	sfence.sel $0xFFFF  }
0xcf: {  	[dreg:$0x0] =	wrdreg $0xFFFFFFFF;
	(pc) =	sbr.abs _section_cstart, $3  }
0xd0: {  	[dreg:$0x1] =	wrdreg $0xFFFFFFFF  }
0xd1: {  	_ =	task.clear_ibuf [dreg:s22], $0x2FFFF;
	_ =	strace $0x9FFFFFFF  }
0xd2: {  	(tm) =	ssettm $0x7FFFFFFF  }
0xd3: {  	_ =	shalt  }
tec
execute0_lowered:
.L_overlay_start_1:
0x0: {  	(tag) =	ssettag $0x1  }
0x1: {  	s5 =	rddreg [dreg:$0x0]  }
0x2: {  	s6 =	rddreg [dreg:$0x1];
	s1 =	srdreg.scid  }
0x3: {  	s0 =	stileid.u32;
	s2 =	rddreg [dreg:$0x2]  }
0x4: {  	s3 =	simm.s32 $0x0;
	s18 =	simm.s32 $0x9000;
	s19 =	simm.s32 $0x2  }
0x5: {  	s20 =	simm.s32 $0x2800;
	s21 =	simm.s32 $0x80;
	s22 =	simm.s32 $0x5000  }
0x6: {  	s23 =	simm.s32 $0x1;
	s7 =	sand.u32 $0x1, s1;
	s9 =	smul.u32 $0x50000, s0  }
0x7: {  	s4 =	sshll.u32 s0, $0x1;
	s1 =	rddreg [dreg:$0x3];
	s25 =	smul.u32 $0x2800, s0  }
0x8: {  	[smem:$0x7FF] =	sst s3;
	s4 =	sor.u32 s7, s4;
	s10 =	smul.u32 $0x28000, s7  }
0x9: {  	_ =	strace $0x8000004A;
	s7 =	ssub.s32 $0x2, s7;
	s8 =	smul.u32 $0x500, s4  }
0xa: {  	s4 =	sadd.s32 $0xD200, s5;
	s12 =	sshrl.u32 s7, $0x1;
	s9 =	sshrl.u32 s9, $0x2  }
0xb: {  	s10 =	sadd.s32 s10, s5;
	s12 =	ssub.s32 s7, s12;
	s11 =	sadd.s32 s8, s5  }
0xc: {  	s5 =	sadd.s32 s9, s2;
	s6 =	sadd.s32 s6, s8;
	s24 =	sadd.s32 $0x35200, s10  }
0xd: {  	s8 =	smax.u32 s12, $0x1;
	s7 =	sadd.s32 $0x2800, s11;
	s9 =	sadd.s32 $0x2000, s5  }
0xe: {  	s10 =	sadd.s32 $0x4000, s5;
	s11 =	sadd.s32 $0x6000, s5;
	s12 =	sadd.s32 $0x8000, s5  }
0xf: {  	s13 =	sadd.s32 $0xA000, s5;
	s14 =	sadd.s32 $0xC000, s5;
	s15 =	sadd.s32 $0xE000, s5  }
0x10: {  	v0 =	vimm.f32 $0.0e+00;
	s16 =	sadd.s32 $0x10000, s5;
	s17 =	sadd.s32 $0x12000, s5;
	s24 =	sadd.s32 s25, s24  }
.LBB2_1:
0x11: {  	s25 =	simm.s32 $0x0;
	s26 =	simm.s32 $0x200  }
.LBB2_2:
0x12: {  	p0 =	sne.s32 s26, $0x7E00;
	[tilespmem:s25+$0x9070] =	vst v0  }
0x13: {  	[tilespmem:s25+$0x9000] =	vst v0  }
0x14: {  	[tilespmem:s25+$0x9010] =	vst v0  }
.Ltmp0:
0x15: {  	[tilespmem:s25+$0x9020] =	vst v0;
	(pc) =	sbr.rel @p0 .LBB2_2-.Ltmp0, $4  }
0x16: {  	[tilespmem:s25+$0x9030] =	vst v0  }
0x17: {  	[tilespmem:s25+$0x9040] =	vst v0  }
0x18: {  	[tilespmem:s25+$0x9050] =	vst v0  }
0x19: {  	[tilespmem:s25+$0x9060] =	vst v0;
	s25 =	sshra.s32 s26, $0x2;
	s26 =	sadd.s32 $0x200, s26  }
0x1a: {  	[tilespmem:s25+$0x9070] =	vst v0  }
0x1b: {  	[tilespmem:s25+$0x9000] =	vst v0  }
0x1c: {  	[tilespmem:s25+$0x9010] =	vst v0  }
0x1d: {  	[tilespmem:s25+$0x9020] =	vst v0  }
0x1e: {  	[tilespmem:s25+$0x9030] =	vst v0  }
0x1f: {  	[tilespmem:s25+$0x9040] =	vst v0  }
0x20: {  	[tilespmem:s25+$0x9050] =	vst v0  }
0x21: {  	[tilespmem:s25+$0x9060] =	vst v0  }
0x22: {  	[spmem:s5] =	stream.linear.scatter [tilespmem:s18], [sflag:$0x2], $0x2000, $0x38;
	[tilespmem:$0x1F000] =	vst v63  }
0x23: {  	_ =	swait.ge [sflag:s19], $0x2000  }
0x24: {  	[sflag:s19] =	ssyncset.done $0x0  }
0x25: {  	[sflag:s19] =	ssyncadd.s32 $0xFFFFE000  }
0x26: {  	[spmem:s9] =	stream.linear.scatter [tilespmem:s18], [sflag:$0x2], $0x2000, $0x38;
	[tilespmem:$0x1F000] =	vst v63  }
0x27: {  	_ =	swait.ge [sflag:s19], $0x2000  }
0x28: {  	[sflag:s19] =	ssyncset.done $0x0  }
0x29: {  	[sflag:s19] =	ssyncadd.s32 $0xFFFFE000  }
0x2a: {  	[spmem:s10] =	stream.linear.scatter [tilespmem:s18], [sflag:$0x2], $0x2000, $0x38;
	[tilespmem:$0x1F000] =	vst v63  }
0x2b: {  	_ =	swait.ge [sflag:s19], $0x2000  }
0x2c: {  	[sflag:s19] =	ssyncset.done $0x0  }
0x2d: {  	[sflag:s19] =	ssyncadd.s32 $0xFFFFE000  }
0x2e: {  	[spmem:s11] =	stream.linear.scatter [tilespmem:s18], [sflag:$0x2], $0x2000, $0x38;
	[tilespmem:$0x1F000] =	vst v63  }
0x2f: {  	_ =	swait.ge [sflag:s19], $0x2000  }
0x30: {  	[sflag:s19] =	ssyncset.done $0x0  }
0x31: {  	[sflag:s19] =	ssyncadd.s32 $0xFFFFE000  }
0x32: {  	[spmem:s12] =	stream.linear.scatter [tilespmem:s18], [sflag:$0x2], $0x2000, $0x38;
	[tilespmem:$0x1F000] =	vst v63  }
0x33: {  	_ =	swait.ge [sflag:s19], $0x2000  }
0x34: {  	[sflag:s19] =	ssyncset.done $0x0  }
0x35: {  	[sflag:s19] =	ssyncadd.s32 $0xFFFFE000  }
0x36: {  	[spmem:s13] =	stream.linear.scatter [tilespmem:s18], [sflag:$0x2], $0x2000, $0x38;
	[tilespmem:$0x1F000] =	vst v63  }
0x37: {  	_ =	swait.ge [sflag:s19], $0x2000  }
0x38: {  	[sflag:s19] =	ssyncset.done $0x0  }
0x39: {  	[sflag:s19] =	ssyncadd.s32 $0xFFFFE000  }
0x3a: {  	[spmem:s14] =	stream.linear.scatter [tilespmem:s18], [sflag:$0x2], $0x2000, $0x38;
	[tilespmem:$0x1F000] =	vst v63  }
0x3b: {  	_ =	swait.ge [sflag:s19], $0x2000  }
0x3c: {  	[sflag:s19] =	ssyncset.done $0x0  }
0x3d: {  	[sflag:s19] =	ssyncadd.s32 $0xFFFFE000  }
0x3e: {  	[spmem:s15] =	stream.linear.scatter [tilespmem:s18], [sflag:$0x2], $0x2000, $0x38;
	[tilespmem:$0x1F000] =	vst v63  }
0x3f: {  	_ =	swait.ge [sflag:s19], $0x2000  }
0x40: {  	[sflag:s19] =	ssyncset.done $0x0  }
0x41: {  	[sflag:s19] =	ssyncadd.s32 $0xFFFFE000  }
0x42: {  	[spmem:s16] =	stream.linear.scatter [tilespmem:s18], [sflag:$0x2], $0x2000, $0x38;
	[tilespmem:$0x1F000] =	vst v63  }
0x43: {  	_ =	swait.ge [sflag:s19], $0x2000  }
0x44: {  	[sflag:s19] =	ssyncset.done $0x0  }
0x45: {  	[sflag:s19] =	ssyncadd.s32 $0xFFFFE000  }
0x46: {  	[spmem:s17] =	stream.linear.scatter [tilespmem:s18], [sflag:$0x2], $0x2000, $0x38;
	[tilespmem:$0x1F000] =	vst v63  }
0x47: {  	_ =	swait.ge [sflag:s19], $0x2000  }
0x48: {  	[sflag:s19] =	ssyncset.done $0x0  }
0x49: {  	[sflag:s19] =	ssyncadd.s32 $0xFFFFE000  }
0x4a: {  	s29 =	simm.s32 $0x0;
	[bflag:$0x0] =	sbarrier.arrive $0xFFFF  }
0x4b: {  	[tilespmem:s29], [sflag:$0x2] =	stream.linear.gather [hbm4b:s6+s29], $0x2780, $0x38;
	[tilespmem:$0x1F000] =	vst v63  }
0x4c: {  	_ =	swait.ge [sflag:s19], $0x2780  }
0x4d: {  	[sflag:s19] =	ssyncset.done $0x0  }
0x4e: {  	[sflag:s19] =	ssyncadd.s32 $0xFFFFD880  }
0x4f: {  	[tilespmem:s20], [sflag:$0x2] =	stream.linear.gather [hbm4b:s7+s29], $0x2780, $0x38;
	[tilespmem:$0x1F000] =	vst v63  }
0x50: {  	_ =	swait.ge [sflag:s19], $0x2780  }
0x51: {  	[sflag:s19] =	ssyncset.done $0x0  }
0x52: {  	s30 =	simm.s32 $0x0;
	[sflag:s19] =	ssyncadd.s32 $0xFFFFD880  }
0x53: {  	[tilespmem:s22], [sflag:$0x1] =	stream.indirect.gather [hbm4b:s4+s21], $0x80, s30, s21, $0xb8;
	[tilespmem:$0x1F000] =	vst v63  }
0x54: {  	_ =	swait.ge [sflag:s23], $0x4000  }
0x55: {  	[sflag:s23] =	ssyncset.done $0x0  }
0x56: {  	s31 =	simm.s32 $0x2800;
	[sflag:s23] =	ssyncadd.s32 $0xFFFFC000  }
0x57: {  	[spmem:s2] =	stream.indirect.scatter.add.f32 [tilespmem:s22], [sflag:$0x2], $0x80, s31, s21, $0xb8;
	[tilespmem:$0x1F000] =	vst v63  }
0x58: {  	_ =	swait.ge [sflag:s19], $0x4000  }
0x59: {  	s25 =	simm.s32 $0x200;
	s26 =	simm.s32 $0x400;
	[sflag:s19] =	ssyncset.done $0x0  }
.LBB2_4:
0x5a: {  	s28 =	sshra.s32 s25, $0x2  }
0x5b: {  	[sflag:s19] =	ssyncadd.s32 $0xFFFFC000;
	s25 =	smov.u32 s26;
	s29 =	sadd.s32 $0x200, s26  }
0x5c: {  	[tilespmem:s22], [sflag:$0x1] =	stream.indirect.gather [hbm4b:s4+s21], $0x80, s28, s21, $0xb8;
	[tilespmem:$0x1F000] =	vst v63  }
0x5d: {  	p0 =	sne.s32 s26, $0x9C00;
	_ =	swait.ge [sflag:s23], $0x4000  }
.Ltmp1:
0x5e: {  	[sflag:s23] =	ssyncset.done $0x0;
	(pc) =	sbr.rel @p0 .LBB2_4-.Ltmp1, $4  }
0x5f: {  	s26 =	sadd.s32 $0x2800, s28;
	[sflag:s23] =	ssyncadd.s32 $0xFFFFC000  }
0x60: {  	[spmem:s2] =	stream.indirect.scatter.add.f32 [tilespmem:s22], [sflag:$0x2], $0x80, s26, s21, $0xb8;
	[tilespmem:$0x1F000] =	vst v63  }
0x61: {  	_ =	swait.ge [sflag:s19], $0x4000  }
0x62: {  	s26 =	smov.u32 s29;
	[sflag:s19] =	ssyncset.done $0x0  }
0x63: {  	s25 =	sshra.s32 s25, $0x2;
	[sflag:s19] =	ssyncadd.s32 $0xFFFFC000  }
0x64: {  	[tilespmem:s22], [sflag:$0x1] =	stream.indirect.gather [hbm4b:s4+s21], $0x80, s25, s21, $0xb8;
	[tilespmem:$0x1F000] =	vst v63  }
0x65: {  	_ =	swait.ge [sflag:s23], $0x4000  }
0x66: {  	[sflag:s23] =	ssyncset.done $0x0  }
0x67: {  	s25 =	sadd.s32 $0x2800, s25;
	[sflag:s23] =	ssyncadd.s32 $0xFFFFC000  }
0x68: {  	[spmem:s2] =	stream.indirect.scatter.add.f32 [tilespmem:s22], [sflag:$0x2], $0x80, s25, s21, $0xb8;
	[tilespmem:$0x1F000] =	vst v63  }
0x69: {  	_ =	swait.ge [sflag:s19], $0x4000  }
0x6a: {  	s31 =	sshll.u32 s0, $0x6;
	s3 =	sadd.s32 $0x1, s3;
	[sflag:s19] =	ssyncset.done $0x0  }
0x6b: {  	s26 =	sshrl.u32 s5, $0x3;
	p0 =	sne.s32 s3, s8;
	[sflag:s19] =	ssyncadd.s32 $0xFFFFC000  }
.Ltmp2:
0x6c: {  	s25 =	sor.u32 $0x1C02, s31;
	[bflag:$0x0] =	sbarrier.arrive $0xFFFF;
	(pc) =	sbr.rel @p0 .LBB2_1-.Ltmp2, $4  }
0x6d: {  	[hbm:s24], [sflag:s25] =	dma.local [spmem:s26], $0x2800  }
0x6e: {  	_ =	swait.ge [sflag:s19], $0x2800  }
0x6f: {  	[sflag:s19] =	ssyncset.done $0x0  }
0x70: {  	[sflag:s19] =	ssyncadd.s32 $0xFFFFD800  }
0x71: {  	_ =	sfence.sel $0x180000  }
0x72: {  	[bflag:$0x0] =	sbarrier.arrive $0xFFFF  }
0x73: {  	p0 =	sne.s32 s0, $0x0;
	_ =	strace $0x9000004A  }
0x74: {  	s0 =	sadd.s32 @!p0 $0x100000, s1;
	[bflag:$0x2] =	sbarrier.arrive $0xFFFF  }
0x75: {  	[sflag:s0] =	ssyncadd.tile.s32 @!p0 $0x1;
	_ =	shalt  }
.Lfunc_end2:
_tile_overlayer_lowered:
.L_overlay_start_2:
0x76: {  	(tag) =	ssettag $0x2  }
0x77: {  	s0 =	rddreg [dreg:$0x0];
	s2 =	stileid.u32  }
0x78: {  	s1 =	rddreg [dreg:$0x1];
	p0 =	sne.s32 s2, $0x0  }
0x79: {  	s3 =	rddreg [dreg:$0x2];
	[bflag:$0x3] =	sbarrier.arrive $0xFFFF;
	s2 =	simm.s32 @!p0 $0x1C02  }
0x7a: {  	[timem:s3], [sflag:s2] =	dma.local @!p0 [hbm:s0], s1  }
0x7b: {  	s0 =	simm.s32 @!p0 $0x2  }
0x7c: {  	_ =	swait.ge @!p0 [sflag:s0], s1  }
0x7d: {  	s1 =	ssub.s32 @!p0 $0x0, s1;
	[sflag:s0] =	ssyncset.done @!p0 $0x0  }
0x7e: {  	[sflag:s0] =	ssyncadd.s32 @!p0 s1  }
0x7f: {  	[bflag:$0x3] =	sbarrier.arrive $0xFFFF  }
0x80: {  	_ =	shalt  }

// kernel: kernel.13.cloned.1.call-start
scs
__scs_entry_jumppad:
0x0: {  	(pc) =	sbr.rel $0x88, $3  }
0x1: {  	(tag) =	ssettag $0x0;
	lr =	simm.s32 $0x1  }
0x2: {  	[smem:$0x3F99] =	sst lr;
	_ =	strace $0xD0000000  }
0x3: {  	_ = 	snop  }
0x4: {  	_ = 	snop  }
0x5: {  	_ = 	snop  }
0x6: {  	_ = 	snop  }
0x7: {  	_ = 	snop  }
__scs_overlays_trampoline_lowered:
0x8: {  	[smem:$0x3FA8] =	sst s0  }
0x9: {  	[smem:$0x3FA9] =	sst s1  }
0xa: {  	[smem:$0x3FAA] =	sst s2  }
0xb: {  	[smem:$0x3FAB] =	sst s3  }
0xc: {  	[smem:$0x3FAC] =	sst s4  }
0xd: {  	[smem:$0x3FAD] =	sst s5  }
0xe: {  	[smem:$0x3FAE] =	sst s6  }
0xf: {  	[smem:$0x3FAF] =	sst s7  }
0x10: {  	[smem:$0x3FB0] =	sst s8  }
0x11: {  	[smem:$0x3FB1] =	sst s9;
	s0 =	simm.s32 @!p0 $0x0  }
0x12: {  	s1 =	sld [smem:$0x3F97];
	s0 =	simm.s32 @p0 $0x1  }
0x13: {  	[smem:$0x3FB2] =	sst s0;
	s0 =	simm.s32 @!p1 $0x0  }
0x14: {  	s2 =	sld [smem:$0x3F96];
	s0 =	simm.s32 @p1 $0x1  }
0x15: {  	[smem:$0x3FB3] =	sst s0;
	s0 =	simm.s32 @!p2 $0x0  }
0x16: {  	s3 =	sld [smem:$0x3FDB];
	s0 =	simm.s32 @p2 $0x1  }
0x17: {  	s4 =	simm.s32 $0x1BF5;
	[smem:$0x3FB5] =	sst s0  }
0x18: {  	s0 =	sld [smem:$0x3F98];
	_ =	swait.ge [sflag:s4], $0x0  }
0x19: {  	s7 =	sld [smem:$0x3F99]  }
0x1a: {  	s8 =	sadd.s32 $0xFFFFE003, lr  }
0x1b: {  	s9 =	sadd.s32 $0xFFFFFEF7, lr;
	s5 =	simm.s32 $0xFFFFFFFF;
	p2 =	slt.u32 s8, $0xFFFFF086  }
0x1c: {  	p1 =	slt.u32 s9, $0xF7A;
	s5 =	simm.s32 @!p2 $0x0  }
0x1d: {  	s5 =	simm.s32 @p1 $0x1;
	p0 =	seq.s32 s7, s2  }
0x1e: {  	s7 =	smul.u32 @!p0 $0xF7A, s2;
	p2 =	seq.s32 @!p0 s5, $0x0  }
0x1f: {  	s9 =	smul.u32 $0xF7A, s1;
	s8 =	simm.s32 @!p0 $0x1BF5;
	p2 =	por !p2, p0  }
0x20: {  	[sflag:s8] =	ssyncset.s32 @!p0 $0xFFFFF086;
	s6 =	sadd.s32 @!p0 s3, s7;
	s7 =	simm.s32 @!p0 $0x108  }
0x21: {  	s3 =	sadd.s32 s3, s9;
	s6 =	sadd.s32 @!p0 $0x88, s6;
	s7 =	simm.s32 @p2 $0x1082  }
0x22: {  	[simem:s7], [sflag:s8] =	dma.local @!p0 [hbm:s6], $0xF7A  }
0x23: {  	s9 =	sor.u32 $0xD0000000, s2;
	s6 =	simm.s32 $0x108;
	_ =	swait.ge @!p0 [sflag:s8], $0x0  }
0x24: {  	s3 =	sadd.s32 $0x88, s3;
	s6 =	simm.s32 @!p1 $0x1082;
	[sflag:s4] =	ssyncset.s32 $0xFFFFF086  }
0x25: {  	[simem:s6], [sflag:s4] =	dma.local [hbm:s3], $0xF7A  }
0x26: {  	[smem:$0x3F99] =	sst s1;
	(tag) =	ssettag s2;
	_ =	strace s9  }
0x27: {  	s1 =	sld [smem:$0x3FA9]  }
0x28: {  	s2 =	sld [smem:$0x3FAA]  }
0x29: {  	s4 =	sld [smem:$0x3FAC]  }
0x2a: {  	p0 =	seq.s32 s5, $0x0;
	s5 =	sld [smem:$0x3FAD]  }
0x2b: {  	s6 =	sld [smem:$0x3FAE]  }
0x2c: {  	s7 =	sld [smem:$0x3FAF]  }
0x2d: {  	s3 =	simm.s32 $0x108;
	s8 =	sld [smem:$0x3FB0]  }
0x2e: {  	s3 =	simm.s32 @!p0 $0x1082;
	s9 =	sld [smem:$0x3FB1]  }
0x2f: {  	lr =	sadd.s32 s0, s3;
	s0 =	sld [smem:$0x3FA8]  }
0x30: {  	s3 =	sld [smem:$0x3FAB]  }
0x31: {  	[smem:$0x3FB4] =	sst s10  }
0x32: {  	s10 =	sld [smem:$0x3FB2];
	_ =	sdelay $0x3  }
0x33: {  	p0 =	seq.s32 s10, $0x1;
	s10 =	sld [smem:$0x3FB4];
	_ =	sdelay $0x3  }
0x34: {  	[smem:$0x3FB4] =	sst s10  }
0x35: {  	s10 =	sld [smem:$0x3FB3];
	_ =	sdelay $0x3  }
0x36: {  	p1 =	seq.s32 s10, $0x1;
	s10 =	sld [smem:$0x3FB4];
	_ =	sdelay $0x3  }
0x37: {  	[smem:$0x3FB4] =	sst s10  }
0x38: {  	s10 =	sld [smem:$0x3FB5]  }
0x39: {  	_ = 	snop;
	(pc) =	sbr.ind lr, $3  }
0x3a: {  	_ = 	snop  }
0x3b: {  	_ = 	snop  }
0x3c: {  	p2 =	seq.s32 s10, $0x1;
	s10 =	sld [smem:$0x3FB4]  }
0x3d: {  	_ =	shalt  }
0x3e: {  	_ =	shalt  }
0x3f: {  	_ =	shalt  }
0x40: {  	_ =	shalt  }
0x41: {  	_ =	shalt  }
0x42: {  	_ =	shalt  }
0x43: {  	_ =	shalt  }
0x44: {  	_ =	shalt  }
0x45: {  	_ =	shalt  }
0x46: {  	_ =	shalt  }
0x47: {  	_ =	shalt  }
0x48: {  	_ =	shalt  }
0x49: {  	_ =	shalt  }
0x4a: {  	_ =	shalt  }
0x4b: {  	_ =	shalt  }
0x4c: {  	_ =	shalt  }
0x4d: {  	_ =	shalt  }
0x4e: {  	_ =	shalt  }
0x4f: {  	_ =	shalt  }
0x50: {  	_ =	shalt  }
0x51: {  	_ =	shalt  }
0x52: {  	_ =	shalt  }
0x53: {  	_ =	shalt  }
0x54: {  	_ =	shalt  }
0x55: {  	_ =	shalt  }
0x56: {  	_ =	shalt  }
0x57: {  	_ =	shalt  }
0x58: {  	_ =	shalt  }
0x59: {  	_ =	shalt  }
0x5a: {  	_ =	shalt  }
0x5b: {  	_ =	shalt  }
0x5c: {  	_ =	shalt  }
0x5d: {  	_ =	shalt  }
0x5e: {  	_ =	shalt  }
0x5f: {  	_ =	shalt  }
0x60: {  	_ =	shalt  }
0x61: {  	_ =	shalt  }
0x62: {  	_ =	shalt  }
0x63: {  	_ =	shalt  }
0x64: {  	_ =	shalt  }
0x65: {  	_ =	shalt  }
0x66: {  	_ =	shalt  }
0x67: {  	_ =	shalt  }
0x68: {  	_ =	shalt  }
0x69: {  	_ =	shalt  }
0x6a: {  	_ =	shalt  }
0x6b: {  	_ =	shalt  }
0x6c: {  	_ =	shalt  }
0x6d: {  	_ =	shalt  }
0x6e: {  	_ =	shalt  }
0x6f: {  	_ =	shalt  }
0x70: {  	_ =	shalt  }
0x71: {  	_ =	shalt  }
0x72: {  	_ =	shalt  }
0x73: {  	_ =	shalt  }
0x74: {  	_ =	shalt  }
0x75: {  	_ =	shalt  }
0x76: {  	_ =	shalt  }
0x77: {  	_ =	shalt  }
0x78: {  	_ =	shalt  }
0x79: {  	_ =	shalt  }
0x7a: {  	_ =	shalt  }
0x7b: {  	_ =	shalt  }
0x7c: {  	_ =	shalt  }
0x7d: {  	_ =	shalt  }
0x7e: {  	_ =	shalt  }
0x7f: {  	_ =	shalt  }
0x80: {  	_ =	shalt  }
0x81: {  	_ =	shalt  }
0x82: {  	_ =	shalt  }
0x83: {  	_ =	shalt  }
0x84: {  	_ =	shalt  }
0x85: {  	_ =	shalt  }
0x86: {  	_ =	shalt  }
0x87: {  	_ =	shalt  }
.Lfunc_end0:
.L_simem_size_0:
called_computation.2_lowered:
.L_overlay_start_0:
0x88: {  	s2 =	sld [smem:$0x3FD9]  }
0x89: {  	s3 =	sld [smem:$0x3FFE];
	_ =	sdelay $0x1  }
0x8a: {  	s1 =	srdreg.scid  }
0x8b: {  	s0 =	sand.u32 $0x1, s1  }
0x8c: {  	s17 =	sshll.u32 s0, $0xA;
	s2 =	sadd.s32 s3, s2  }
0x8d: {  	s2 =	sadd.s32 s2, s17  }
0x8e: {  	[smem:$0x3FC0] =	sst s2  }
0x8f: {  	_ = 	snop  }
0x90: {  	s2 =	sld [smem:$0x3FD0];
	(tm) =	ssettm $0x1  }
0x91: {  	s18 =	sld [smem:$0x3FFB];
	_ =	sdelay $0x3  }
0x92: {  	_ =	strace s18  }
0x93: {  	s3 =	sld [smem:$0x3FFC];
	_ =	sdelay $0x3  }
0x94: {  	_ =	strace s3  }
0x95: {  	s3 =	sld [smem:$0x3FFD];
	_ =	sdelay $0x3  }
0x96: {  	_ =	strace s3  }
0x97: {  	_ =	strace $0x8FFFFFFF  }
0x98: {  	s19 =	sld [smem:$0x3FDB];
	_ =	sdelay $0x1  }
0x99: {  	s4 =	simm.s32 $_scs_section_size  }
0x9a: {  	s5 =	simm.s32 $_size__tile_overlayer_lowered;
	s6 =	simm.s32 $_tile_overlayer_lowered  }
0x9b: {  	s22 =	simm.s32 $0x1BFF;
	s21 =	sshll.u32 s6, $0x1;
	s3 =	sadd.s32 s4, s19  }
0x9c: {  	s7 =	simm.s32 $0x0;
	s20 =	sshll.u32 s5, $0x1;
	s5 =	sadd.s32 s21, s3  }
0x9d: {  	[timem:s7], [sflag:s22] =	dma.local [hbm:s5], s20  }
0x9e: {  	_ =	swait.ge [sflag:s22], s20  }
0x9f: {  	s4 =	ssub.s32 $0x0, s20;
	[sflag:s22] =	ssyncset.done $0x0  }
0xa0: {  	[sflag:s22] =	ssyncadd.s32 s4;
	_ =	sdelay $0x1  }
0xa1: {  	s23 =	simm.s32 $0x1B8B  }
0xa2: {  	_ =	swait.ge [sflag:s23], $0x1  }
0xa3: {  	[sflag:s23] =	ssyncset.done $0x0  }
0xa4: {  	s25 =	simm.s32 $0x1B8E;
	s24 =	sld [smem:$0x3FFE];
	[sflag:s23] =	ssyncadd.s32 $0xFFFFFFFF  }
0xa5: {  	s26 =	simm.s32 $execute0_lowered;
	[smem:$0x3FD2] =	sst s25  }
0xa6: {  	s5 =	sshll.u32 s26, $0x1;
	_ =	strace $0x8000004C;
	[dreg:$0x1] =	wrdreg $0xFFFFFFFF  }
0xa7: {  	s28 =	simm.s32 $_size_execute0_lowered;
	s3 =	sadd.s32 s3, s5;
	[dreg:$0x0] =	wrdreg $0x0  }
0xa8: {  	s5 =	sshll.u32 s28, $0x1;
	[dreg:$0x2] =	wrdreg s3  }
0xa9: {  	[dreg:$0x3] =	wrdreg s5  }
0xaa: {  	[dreg:$0x4] =	wrdreg $0xC0  }
0xab: {  	_ =	task [dreg:s7], $0x5FFFF  }
0xac: {  	[dreg:$0x1] =	wrdreg $0xFFFFFFFF  }
0xad: {  	[dreg:$0x0] =	wrdreg $0x60  }
0xae: {  	[dreg:$0x2] =	wrdreg s24  }
0xaf: {  	[dreg:$0x3] =	wrdreg s2  }
0xb0: {  	[dreg:$0x4] =	wrdreg $0xB0000  }
0xb1: {  	[dreg:$0x5] =	wrdreg $0x9  }
0xb2: {  	_ =	task.clear_ibuf [dreg:s7], $0x6FFFF;
	_ =	strace $0x9000004C  }
0xb3: {  	s29 =	simm.s32 $0x9;
	_ =	strace $0x8000004E  }
0xb4: {  	_ =	swait.ge [sflag:s29], $0x1  }
0xb5: {  	[sflag:s29] =	ssyncadd.s32 $0xFFFFFFFF  }
0xb6: {  	_ =	strace $0x9000004E  }
0xb7: {  	_ =	sfence  }
0xb8: {  	s30 =	sld [smem:$0x0];
	_ =	sdelay $0x2  }
0xb9: {  	s31 =	sshll.u32 s1, $0xD;
	s1 =	sshrl.u32 s1, $0x2  }
0xba: {  	s3 =	sand.u32 $0x4000, s31;
	s1 =	sadd.s32 s1, s30  }
0xbb: {  	s0 =	sor.u32 s3, s0;
	s1 =	sshll.u32 s1, $0x11  }
0xbc: {  	s0 =	sor.u32 s1, s0  }
0xbd: {  	s0 =	sadd.s32 $0x8F2B, s0  }
0xbe: {  	[sflag:s0] =	ssyncadd.remote.s32 $0x1  }
0xbf: {  	_ =	sfence.sel $0xFFFF  }
0xc0: {  	[dreg:$0x0] =	wrdreg $0xFFFFFFFF;
	(pc) =	sbr.abs _section_cstart, $3  }
0xc1: {  	[dreg:$0x1] =	wrdreg $0xFFFFFFFF  }
0xc2: {  	_ =	task.clear_ibuf [dreg:s7], $0x2FFFF;
	_ =	strace $0x9FFFFFFF  }
0xc3: {  	(tm) =	ssettm $0x7FFFFFFF  }
tec
execute0_lowered:
.L_overlay_start_1:
0x0: {  	(tag) =	ssettag $0x1  }
0x1: {  	s5 =	rddreg [dreg:$0x0]  }
0x2: {  	s6 =	rddreg [dreg:$0x1];
	s1 =	srdreg.scid  }
0x3: {  	s0 =	stileid.u32;
	s2 =	rddreg [dreg:$0x2]  }
0x4: {  	s3 =	simm.s32 $0x0;
	s18 =	simm.s32 $0x9000;
	s19 =	simm.s32 $0x2  }
0x5: {  	s20 =	simm.s32 $0x2800;
	s21 =	simm.s32 $0x80;
	s22 =	simm.s32 $0x5000  }
0x6: {  	s23 =	simm.s32 $0x1;
	s7 =	sand.u32 $0x1, s1;
	s9 =	smul.u32 $0x50000, s0  }
0x7: {  	s4 =	sshll.u32 s0, $0x1;
	s1 =	rddreg [dreg:$0x3];
	s25 =	smul.u32 $0x2800, s0  }
0x8: {  	[smem:$0x7FF] =	sst s3;
	s4 =	sor.u32 s7, s4;
	s10 =	smul.u32 $0x28000, s7  }
0x9: {  	_ =	strace $0x8000004D;
	s7 =	ssub.s32 $0x2, s7;
	s8 =	smul.u32 $0x500, s4  }
0xa: {  	s4 =	sadd.s32 $0xC800, s5;
	s12 =	sshrl.u32 s7, $0x1;
	s9 =	sshrl.u32 s9, $0x2  }
0xb: {  	s10 =	sadd.s32 s10, s5;
	s12 =	ssub.s32 s7, s12;
	s11 =	sadd.s32 s8, s5  }
0xc: {  	s5 =	sadd.s32 s9, s2;
	s6 =	sadd.s32 s6, s8;
	s24 =	sadd.s32 $0x34800, s10  }
0xd: {  	s8 =	smax.u32 s12, $0x1;
	s7 =	sadd.s32 $0x2800, s11;
	s9 =	sadd.s32 $0x2000, s5  }
0xe: {  	s10 =	sadd.s32 $0x4000, s5;
	s11 =	sadd.s32 $0x6000, s5;
	s12 =	sadd.s32 $0x8000, s5  }
0xf: {  	s13 =	sadd.s32 $0xA000, s5;
	s14 =	sadd.s32 $0xC000, s5;
	s15 =	sadd.s32 $0xE000, s5  }
0x10: {  	v0 =	vimm.f32 $0.0e+00;
	s16 =	sadd.s32 $0x10000, s5;
	s17 =	sadd.s32 $0x12000, s5;
	s24 =	sadd.s32 s25, s24  }
.LBB2_1:
0x11: {  	s25 =	simm.s32 $0x0;
	s26 =	simm.s32 $0x200  }
.LBB2_2:
0x12: {  	p0 =	sne.s32 s26, $0x7E00;
	[tilespmem:s25+$0x9070] =	vst v0  }
0x13: {  	[tilespmem:s25+$0x9000] =	vst v0  }
0x14: {  	[tilespmem:s25+$0x9010] =	vst v0  }
.Ltmp0:
0x15: {  	[tilespmem:s25+$0x9020] =	vst v0;
	(pc) =	sbr.rel @p0 .LBB2_2-.Ltmp0, $4  }
0x16: {  	[tilespmem:s25+$0x9030] =	vst v0  }
0x17: {  	[tilespmem:s25+$0x9040] =	vst v0  }
0x18: {  	[tilespmem:s25+$0x9050] =	vst v0  }
0x19: {  	[tilespmem:s25+$0x9060] =	vst v0;
	s25 =	sshra.s32 s26, $0x2;
	s26 =	sadd.s32 $0x200, s26  }
0x1a: {  	[tilespmem:s25+$0x9070] =	vst v0  }
0x1b: {  	[tilespmem:s25+$0x9000] =	vst v0  }
0x1c: {  	[tilespmem:s25+$0x9010] =	vst v0  }
0x1d: {  	[tilespmem:s25+$0x9020] =	vst v0  }
0x1e: {  	[tilespmem:s25+$0x9030] =	vst v0  }
0x1f: {  	[tilespmem:s25+$0x9040] =	vst v0  }
0x20: {  	[tilespmem:s25+$0x9050] =	vst v0  }
0x21: {  	[tilespmem:s25+$0x9060] =	vst v0  }
0x22: {  	[spmem:s5] =	stream.linear.scatter [tilespmem:s18], [sflag:$0x2], $0x2000, $0x38;
	[tilespmem:$0x1F000] =	vst v63  }
0x23: {  	_ =	swait.ge [sflag:s19], $0x2000  }
0x24: {  	[sflag:s19] =	ssyncset.done $0x0  }
0x25: {  	[sflag:s19] =	ssyncadd.s32 $0xFFFFE000  }
0x26: {  	[spmem:s9] =	stream.linear.scatter [tilespmem:s18], [sflag:$0x2], $0x2000, $0x38;
	[tilespmem:$0x1F000] =	vst v63  }
0x27: {  	_ =	swait.ge [sflag:s19], $0x2000  }
0x28: {  	[sflag:s19] =	ssyncset.done $0x0  }
0x29: {  	[sflag:s19] =	ssyncadd.s32 $0xFFFFE000  }
0x2a: {  	[spmem:s10] =	stream.linear.scatter [tilespmem:s18], [sflag:$0x2], $0x2000, $0x38;
	[tilespmem:$0x1F000] =	vst v63  }
0x2b: {  	_ =	swait.ge [sflag:s19], $0x2000  }
0x2c: {  	[sflag:s19] =	ssyncset.done $0x0  }
0x2d: {  	[sflag:s19] =	ssyncadd.s32 $0xFFFFE000  }
0x2e: {  	[spmem:s11] =	stream.linear.scatter [tilespmem:s18], [sflag:$0x2], $0x2000, $0x38;
	[tilespmem:$0x1F000] =	vst v63  }
0x2f: {  	_ =	swait.ge [sflag:s19], $0x2000  }
0x30: {  	[sflag:s19] =	ssyncset.done $0x0  }
0x31: {  	[sflag:s19] =	ssyncadd.s32 $0xFFFFE000  }
0x32: {  	[spmem:s12] =	stream.linear.scatter [tilespmem:s18], [sflag:$0x2], $0x2000, $0x38;
	[tilespmem:$0x1F000] =	vst v63  }
0x33: {  	_ =	swait.ge [sflag:s19], $0x2000  }
0x34: {  	[sflag:s19] =	ssyncset.done $0x0  }
0x35: {  	[sflag:s19] =	ssyncadd.s32 $0xFFFFE000  }
0x36: {  	[spmem:s13] =	stream.linear.scatter [tilespmem:s18], [sflag:$0x2], $0x2000, $0x38;
	[tilespmem:$0x1F000] =	vst v63  }
0x37: {  	_ =	swait.ge [sflag:s19], $0x2000  }
0x38: {  	[sflag:s19] =	ssyncset.done $0x0  }
0x39: {  	[sflag:s19] =	ssyncadd.s32 $0xFFFFE000  }
0x3a: {  	[spmem:s14] =	stream.linear.scatter [tilespmem:s18], [sflag:$0x2], $0x2000, $0x38;
	[tilespmem:$0x1F000] =	vst v63  }
0x3b: {  	_ =	swait.ge [sflag:s19], $0x2000  }
0x3c: {  	[sflag:s19] =	ssyncset.done $0x0  }
0x3d: {  	[sflag:s19] =	ssyncadd.s32 $0xFFFFE000  }
0x3e: {  	[spmem:s15] =	stream.linear.scatter [tilespmem:s18], [sflag:$0x2], $0x2000, $0x38;
	[tilespmem:$0x1F000] =	vst v63  }
0x3f: {  	_ =	swait.ge [sflag:s19], $0x2000  }
0x40: {  	[sflag:s19] =	ssyncset.done $0x0  }
0x41: {  	[sflag:s19] =	ssyncadd.s32 $0xFFFFE000  }
0x42: {  	[spmem:s16] =	stream.linear.scatter [tilespmem:s18], [sflag:$0x2], $0x2000, $0x38;
	[tilespmem:$0x1F000] =	vst v63  }
0x43: {  	_ =	swait.ge [sflag:s19], $0x2000  }
0x44: {  	[sflag:s19] =	ssyncset.done $0x0  }
0x45: {  	[sflag:s19] =	ssyncadd.s32 $0xFFFFE000  }
0x46: {  	[spmem:s17] =	stream.linear.scatter [tilespmem:s18], [sflag:$0x2], $0x2000, $0x38;
	[tilespmem:$0x1F000] =	vst v63  }
0x47: {  	_ =	swait.ge [sflag:s19], $0x2000  }
0x48: {  	[sflag:s19] =	ssyncset.done $0x0  }
0x49: {  	[sflag:s19] =	ssyncadd.s32 $0xFFFFE000  }
0x4a: {  	s29 =	simm.s32 $0x0;
	[bflag:$0x0] =	sbarrier.arrive $0xFFFF  }
0x4b: {  	[tilespmem:s29], [sflag:$0x2] =	stream.linear.gather [hbm4b:s6+s29], $0x2780, $0x38;
	[tilespmem:$0x1F000] =	vst v63  }
0x4c: {  	_ =	swait.ge [sflag:s19], $0x2780  }
0x4d: {  	[sflag:s19] =	ssyncset.done $0x0  }
0x4e: {  	[sflag:s19] =	ssyncadd.s32 $0xFFFFD880  }
0x4f: {  	[tilespmem:s20], [sflag:$0x2] =	stream.linear.gather [hbm4b:s7+s29], $0x2780, $0x38;
	[tilespmem:$0x1F000] =	vst v63  }
0x50: {  	_ =	swait.ge [sflag:s19], $0x2780  }
0x51: {  	[sflag:s19] =	ssyncset.done $0x0  }
0x52: {  	s30 =	simm.s32 $0x0;
	[sflag:s19] =	ssyncadd.s32 $0xFFFFD880  }
0x53: {  	[tilespmem:s22], [sflag:$0x1] =	stream.indirect.gather [hbm4b:s4+s21], $0x80, s30, s21, $0xb8;
	[tilespmem:$0x1F000] =	vst v63  }
0x54: {  	_ =	swait.ge [sflag:s23], $0x4000  }
0x55: {  	[sflag:s23] =	ssyncset.done $0x0  }
0x56: {  	s31 =	simm.s32 $0x2800;
	[sflag:s23] =	ssyncadd.s32 $0xFFFFC000  }
0x57: {  	[spmem:s2] =	stream.indirect.scatter.add.f32 [tilespmem:s22], [sflag:$0x2], $0x80, s31, s21, $0xb8;
	[tilespmem:$0x1F000] =	vst v63  }
0x58: {  	_ =	swait.ge [sflag:s19], $0x4000  }
0x59: {  	s25 =	simm.s32 $0x200;
	s26 =	simm.s32 $0x400;
	[sflag:s19] =	ssyncset.done $0x0  }
.LBB2_4:
0x5a: {  	s28 =	sshra.s32 s25, $0x2  }
0x5b: {  	[sflag:s19] =	ssyncadd.s32 $0xFFFFC000;
	s25 =	smov.u32 s26;
	s29 =	sadd.s32 $0x200, s26  }
0x5c: {  	[tilespmem:s22], [sflag:$0x1] =	stream.indirect.gather [hbm4b:s4+s21], $0x80, s28, s21, $0xb8;
	[tilespmem:$0x1F000] =	vst v63  }
0x5d: {  	p0 =	sne.s32 s26, $0x9C00;
	_ =	swait.ge [sflag:s23], $0x4000  }
.Ltmp1:
0x5e: {  	[sflag:s23] =	ssyncset.done $0x0;
	(pc) =	sbr.rel @p0 .LBB2_4-.Ltmp1, $4  }
0x5f: {  	s26 =	sadd.s32 $0x2800, s28;
	[sflag:s23] =	ssyncadd.s32 $0xFFFFC000  }
0x60: {  	[spmem:s2] =	stream.indirect.scatter.add.f32 [tilespmem:s22], [sflag:$0x2], $0x80, s26, s21, $0xb8;
	[tilespmem:$0x1F000] =	vst v63  }
0x61: {  	_ =	swait.ge [sflag:s19], $0x4000  }
0x62: {  	s26 =	smov.u32 s29;
	[sflag:s19] =	ssyncset.done $0x0  }
0x63: {  	s25 =	sshra.s32 s25, $0x2;
	[sflag:s19] =	ssyncadd.s32 $0xFFFFC000  }
0x64: {  	[tilespmem:s22], [sflag:$0x1] =	stream.indirect.gather [hbm4b:s4+s21], $0x80, s25, s21, $0xb8;
	[tilespmem:$0x1F000] =	vst v63  }
0x65: {  	_ =	swait.ge [sflag:s23], $0x4000  }
0x66: {  	[sflag:s23] =	ssyncset.done $0x0  }
0x67: {  	s25 =	sadd.s32 $0x2800, s25;
	[sflag:s23] =	ssyncadd.s32 $0xFFFFC000  }
0x68: {  	[spmem:s2] =	stream.indirect.scatter.add.f32 [tilespmem:s22], [sflag:$0x2], $0x80, s25, s21, $0xb8;
	[tilespmem:$0x1F000] =	vst v63  }
0x69: {  	_ =	swait.ge [sflag:s19], $0x4000  }
0x6a: {  	s31 =	sshll.u32 s0, $0x6;
	s3 =	sadd.s32 $0x1, s3;
	[sflag:s19] =	ssyncset.done $0x0  }
0x6b: {  	s26 =	sshrl.u32 s5, $0x3;
	p0 =	sne.s32 s3, s8;
	[sflag:s19] =	ssyncadd.s32 $0xFFFFC000  }
.Ltmp2:
0x6c: {  	s25 =	sor.u32 $0x1C02, s31;
	[bflag:$0x0] =	sbarrier.arrive $0xFFFF;
	(pc) =	sbr.rel @p0 .LBB2_1-.Ltmp2, $4  }
0x6d: {  	[hbm:s24], [sflag:s25] =	dma.local [spmem:s26], $0x2800  }
0x6e: {  	_ =	swait.ge [sflag:s19], $0x2800  }
0x6f: {  	[sflag:s19] =	ssyncset.done $0x0  }
0x70: {  	[sflag:s19] =	ssyncadd.s32 $0xFFFFD800  }
0x71: {  	_ =	sfence.sel $0x180000  }
0x72: {  	[bflag:$0x0] =	sbarrier.arrive $0xFFFF  }
0x73: {  	p0 =	sne.s32 s0, $0x0;
	_ =	strace $0x9000004D  }
0x74: {  	s0 =	sadd.s32 @!p0 $0x100000, s1;
	[bflag:$0x2] =	sbarrier.arrive $0xFFFF  }
0x75: {  	[sflag:s0] =	ssyncadd.tile.s32 @!p0 $0x1;
	_ =	shalt  }
.Lfunc_end2:
_tile_overlayer_lowered:
.L_overlay_start_2:
0x76: {  	(tag) =	ssettag $0x2  }
0x77: {  	s0 =	rddreg [dreg:$0x0];
	s2 =	stileid.u32  }
0x78: {  	s1 =	rddreg [dreg:$0x1];
	p0 =	sne.s32 s2, $0x0  }
0x79: {  	s3 =	rddreg [dreg:$0x2];
	[bflag:$0x3] =	sbarrier.arrive $0xFFFF;
	s2 =	simm.s32 @!p0 $0x1C02  }
0x7a: {  	[timem:s3], [sflag:s2] =	dma.local @!p0 [hbm:s0], s1  }
0x7b: {  	s0 =	simm.s32 @!p0 $0x2  }
0x7c: {  	_ =	swait.ge @!p0 [sflag:s0], s1  }
0x7d: {  	s1 =	ssub.s32 @!p0 $0x0, s1;
	[sflag:s0] =	ssyncset.done @!p0 $0x0  }
0x7e: {  	[sflag:s0] =	ssyncadd.s32 @!p0 s1  }
0x7f: {  	[bflag:$0x3] =	sbarrier.arrive $0xFFFF  }
0x80: {  	_ =	shalt  }

// kernel: kernel.7.cloned.1.call-start
scs
__scs_entry_jumppad:
0x0: {  	(pc) =	sbr.rel $0x88, $3  }
0x1: {  	(tag) =	ssettag $0x0;
	lr =	simm.s32 $0x1  }
0x2: {  	[smem:$0x3F99] =	sst lr;
	_ =	strace $0xD0000000  }
0x3: {  	_ = 	snop  }
0x4: {  	_ = 	snop  }
0x5: {  	_ = 	snop  }
0x6: {  	_ = 	snop  }
0x7: {  	_ = 	snop  }
__scs_overlays_trampoline_lowered:
0x8: {  	[smem:$0x3FA8] =	sst s0  }
0x9: {  	[smem:$0x3FA9] =	sst s1  }
0xa: {  	[smem:$0x3FAA] =	sst s2  }
0xb: {  	[smem:$0x3FAB] =	sst s3  }
0xc: {  	[smem:$0x3FAC] =	sst s4  }
0xd: {  	[smem:$0x3FAD] =	sst s5  }
0xe: {  	[smem:$0x3FAE] =	sst s6  }
0xf: {  	[smem:$0x3FAF] =	sst s7  }
0x10: {  	[smem:$0x3FB0] =	sst s8  }
0x11: {  	[smem:$0x3FB1] =	sst s9;
	s0 =	simm.s32 @!p0 $0x0  }
0x12: {  	s1 =	sld [smem:$0x3F97];
	s0 =	simm.s32 @p0 $0x1  }
0x13: {  	[smem:$0x3FB2] =	sst s0;
	s0 =	simm.s32 @!p1 $0x0  }
0x14: {  	s2 =	sld [smem:$0x3F96];
	s0 =	simm.s32 @p1 $0x1  }
0x15: {  	[smem:$0x3FB3] =	sst s0;
	s0 =	simm.s32 @!p2 $0x0  }
0x16: {  	s3 =	sld [smem:$0x3FDB];
	s0 =	simm.s32 @p2 $0x1  }
0x17: {  	s4 =	simm.s32 $0x1BF5;
	[smem:$0x3FB5] =	sst s0  }
0x18: {  	s0 =	sld [smem:$0x3F98];
	_ =	swait.ge [sflag:s4], $0x0  }
0x19: {  	s7 =	sld [smem:$0x3F99]  }
0x1a: {  	s8 =	sadd.s32 $0xFFFFE003, lr  }
0x1b: {  	s9 =	sadd.s32 $0xFFFFFEF7, lr;
	s5 =	simm.s32 $0xFFFFFFFF;
	p2 =	slt.u32 s8, $0xFFFFF086  }
0x1c: {  	p1 =	slt.u32 s9, $0xF7A;
	s5 =	simm.s32 @!p2 $0x0  }
0x1d: {  	s5 =	simm.s32 @p1 $0x1;
	p0 =	seq.s32 s7, s2  }
0x1e: {  	s7 =	smul.u32 @!p0 $0xF7A, s2;
	p2 =	seq.s32 @!p0 s5, $0x0  }
0x1f: {  	s9 =	smul.u32 $0xF7A, s1;
	s8 =	simm.s32 @!p0 $0x1BF5;
	p2 =	por !p2, p0  }
0x20: {  	[sflag:s8] =	ssyncset.s32 @!p0 $0xFFFFF086;
	s6 =	sadd.s32 @!p0 s3, s7;
	s7 =	simm.s32 @!p0 $0x108  }
0x21: {  	s3 =	sadd.s32 s3, s9;
	s6 =	sadd.s32 @!p0 $0x88, s6;
	s7 =	simm.s32 @p2 $0x1082  }
0x22: {  	[simem:s7], [sflag:s8] =	dma.local @!p0 [hbm:s6], $0xF7A  }
0x23: {  	s9 =	sor.u32 $0xD0000000, s2;
	s6 =	simm.s32 $0x108;
	_ =	swait.ge @!p0 [sflag:s8], $0x0  }
0x24: {  	s3 =	sadd.s32 $0x88, s3;
	s6 =	simm.s32 @!p1 $0x1082;
	[sflag:s4] =	ssyncset.s32 $0xFFFFF086  }
0x25: {  	[simem:s6], [sflag:s4] =	dma.local [hbm:s3], $0xF7A  }
0x26: {  	[smem:$0x3F99] =	sst s1;
	(tag) =	ssettag s2;
	_ =	strace s9  }
0x27: {  	s1 =	sld [smem:$0x3FA9]  }
0x28: {  	s2 =	sld [smem:$0x3FAA]  }
0x29: {  	s4 =	sld [smem:$0x3FAC]  }
0x2a: {  	p0 =	seq.s32 s5, $0x0;
	s5 =	sld [smem:$0x3FAD]  }
0x2b: {  	s6 =	sld [smem:$0x3FAE]  }
0x2c: {  	s7 =	sld [smem:$0x3FAF]  }
0x2d: {  	s3 =	simm.s32 $0x108;
	s8 =	sld [smem:$0x3FB0]  }
0x2e: {  	s3 =	simm.s32 @!p0 $0x1082;
	s9 =	sld [smem:$0x3FB1]  }
0x2f: {  	lr =	sadd.s32 s0, s3;
	s0 =	sld [smem:$0x3FA8]  }
0x30: {  	s3 =	sld [smem:$0x3FAB]  }
0x31: {  	[smem:$0x3FB4] =	sst s10  }
0x32: {  	s10 =	sld [smem:$0x3FB2];
	_ =	sdelay $0x3  }
0x33: {  	p0 =	seq.s32 s10, $0x1;
	s10 =	sld [smem:$0x3FB4];
	_ =	sdelay $0x3  }
0x34: {  	[smem:$0x3FB4] =	sst s10  }
0x35: {  	s10 =	sld [smem:$0x3FB3];
	_ =	sdelay $0x3  }
0x36: {  	p1 =	seq.s32 s10, $0x1;
	s10 =	sld [smem:$0x3FB4];
	_ =	sdelay $0x3  }
0x37: {  	[smem:$0x3FB4] =	sst s10  }
0x38: {  	s10 =	sld [smem:$0x3FB5]  }
0x39: {  	_ = 	snop;
	(pc) =	sbr.ind lr, $3  }
0x3a: {  	_ = 	snop  }
0x3b: {  	_ = 	snop  }
0x3c: {  	p2 =	seq.s32 s10, $0x1;
	s10 =	sld [smem:$0x3FB4]  }
0x3d: {  	_ =	shalt  }
0x3e: {  	_ =	shalt  }
0x3f: {  	_ =	shalt  }
0x40: {  	_ =	shalt  }
0x41: {  	_ =	shalt  }
0x42: {  	_ =	shalt  }
0x43: {  	_ =	shalt  }
0x44: {  	_ =	shalt  }
0x45: {  	_ =	shalt  }
0x46: {  	_ =	shalt  }
0x47: {  	_ =	shalt  }
0x48: {  	_ =	shalt  }
0x49: {  	_ =	shalt  }
0x4a: {  	_ =	shalt  }
0x4b: {  	_ =	shalt  }
0x4c: {  	_ =	shalt  }
0x4d: {  	_ =	shalt  }
0x4e: {  	_ =	shalt  }
0x4f: {  	_ =	shalt  }
0x50: {  	_ =	shalt  }
0x51: {  	_ =	shalt  }
0x52: {  	_ =	shalt  }
0x53: {  	_ =	shalt  }
0x54: {  	_ =	shalt  }
0x55: {  	_ =	shalt  }
0x56: {  	_ =	shalt  }
0x57: {  	_ =	shalt  }
0x58: {  	_ =	shalt  }
0x59: {  	_ =	shalt  }
0x5a: {  	_ =	shalt  }
0x5b: {  	_ =	shalt  }
0x5c: {  	_ =	shalt  }
0x5d: {  	_ =	shalt  }
0x5e: {  	_ =	shalt  }
0x5f: {  	_ =	shalt  }
0x60: {  	_ =	shalt  }
0x61: {  	_ =	shalt  }
0x62: {  	_ =	shalt  }
0x63: {  	_ =	shalt  }
0x64: {  	_ =	shalt  }
0x65: {  	_ =	shalt  }
0x66: {  	_ =	shalt  }
0x67: {  	_ =	shalt  }
0x68: {  	_ =	shalt  }
0x69: {  	_ =	shalt  }
0x6a: {  	_ =	shalt  }
0x6b: {  	_ =	shalt  }
0x6c: {  	_ =	shalt  }
0x6d: {  	_ =	shalt  }
0x6e: {  	_ =	shalt  }
0x6f: {  	_ =	shalt  }
0x70: {  	_ =	shalt  }
0x71: {  	_ =	shalt  }
0x72: {  	_ =	shalt  }
0x73: {  	_ =	shalt  }
0x74: {  	_ =	shalt  }
0x75: {  	_ =	shalt  }
0x76: {  	_ =	shalt  }
0x77: {  	_ =	shalt  }
0x78: {  	_ =	shalt  }
0x79: {  	_ =	shalt  }
0x7a: {  	_ =	shalt  }
0x7b: {  	_ =	shalt  }
0x7c: {  	_ =	shalt  }
0x7d: {  	_ =	shalt  }
0x7e: {  	_ =	shalt  }
0x7f: {  	_ =	shalt  }
0x80: {  	_ =	shalt  }
0x81: {  	_ =	shalt  }
0x82: {  	_ =	shalt  }
0x83: {  	_ =	shalt  }
0x84: {  	_ =	shalt  }
0x85: {  	_ =	shalt  }
0x86: {  	_ =	shalt  }
0x87: {  	_ =	shalt  }
.Lfunc_end0:
.L_simem_size_0:
called_computation_lowered:
.L_overlay_start_0:
0x88: {  	s2 =	sld [smem:$0x3FD9]  }
0x89: {  	s3 =	sld [smem:$0x3FFE];
	_ =	sdelay $0x1  }
0x8a: {  	s1 =	srdreg.scid  }
0x8b: {  	s0 =	sand.u32 $0x1, s1  }
0x8c: {  	s16 =	sshll.u32 s0, $0xA;
	s2 =	sadd.s32 s3, s2  }
0x8d: {  	s2 =	sadd.s32 s2, s16  }
0x8e: {  	[smem:$0x3FC0] =	sst s2  }
0x8f: {  	_ = 	snop  }
0x90: {  	(tm) =	ssettm $0x1  }
0x91: {  	s17 =	sld [smem:$0x3FFB];
	_ =	sdelay $0x3  }
0x92: {  	_ =	strace s17  }
0x93: {  	s2 =	sld [smem:$0x3FFC];
	_ =	sdelay $0x3  }
0x94: {  	_ =	strace s2  }
0x95: {  	s2 =	sld [smem:$0x3FFD];
	_ =	sdelay $0x3  }
0x96: {  	_ =	strace s2  }
0x97: {  	_ =	strace $0x8FFFFFFF  }
0x98: {  	s18 =	sld [smem:$0x3FDB];
	_ =	sdelay $0x1  }
0x99: {  	s19 =	simm.s32 $_scs_section_size  }
0x9a: {  	s4 =	simm.s32 $_size__tile_overlayer_lowered;
	s5 =	simm.s32 $_tile_overlayer_lowered  }
0x9b: {  	s22 =	simm.s32 $0x1BFF;
	s21 =	sshll.u32 s5, $0x1;
	s2 =	sadd.s32 s19, s18  }
0x9c: {  	s6 =	simm.s32 $0x0;
	s20 =	sshll.u32 s4, $0x1;
	s4 =	sadd.s32 s21, s2  }
0x9d: {  	[timem:s6], [sflag:s22] =	dma.local [hbm:s4], s20  }
0x9e: {  	_ =	swait.ge [sflag:s22], s20  }
0x9f: {  	s3 =	ssub.s32 $0x0, s20;
	[sflag:s22] =	ssyncset.done $0x0  }
0xa0: {  	[sflag:s22] =	ssyncadd.s32 s3;
	_ =	sdelay $0x1  }
0xa1: {  	s23 =	simm.s32 $0x1B8B  }
0xa2: {  	_ =	swait.ge [sflag:s23], $0x1  }
0xa3: {  	[sflag:s23] =	ssyncset.done $0x0  }
0xa4: {  	s25 =	simm.s32 $0x1B8E;
	s24 =	sld [smem:$0x3FFE];
	[sflag:s23] =	ssyncadd.s32 $0xFFFFFFFF  }
0xa5: {  	s26 =	simm.s32 $execute0_lowered;
	[smem:$0x3FD2] =	sst s25  }
0xa6: {  	s4 =	sshll.u32 s26, $0x1;
	_ =	strace $0x80000046;
	[dreg:$0x1] =	wrdreg $0xFFFFFFFF  }
0xa7: {  	s28 =	simm.s32 $_size_execute0_lowered;
	s2 =	sadd.s32 s2, s4;
	[dreg:$0x0] =	wrdreg $0x0  }
0xa8: {  	s4 =	sshll.u32 s28, $0x1;
	[dreg:$0x2] =	wrdreg s2  }
0xa9: {  	[dreg:$0x3] =	wrdreg s4  }
0xaa: {  	[dreg:$0x4] =	wrdreg $0xC0  }
0xab: {  	_ =	task [dreg:s6], $0x5FFFF  }
0xac: {  	[dreg:$0x1] =	wrdreg $0xFFFFFFFF  }
0xad: {  	[dreg:$0x0] =	wrdreg $0x60  }
0xae: {  	[dreg:$0x2] =	wrdreg s24  }
0xaf: {  	[dreg:$0x3] =	wrdreg $0x2B000  }
0xb0: {  	[dreg:$0x4] =	wrdreg $0x9  }
0xb1: {  	_ =	task.clear_ibuf [dreg:s6], $0x5FFFF;
	_ =	strace $0x90000046  }
0xb2: {  	s29 =	simm.s32 $0x9;
	_ =	strace $0x80000048  }
0xb3: {  	_ =	swait.ge [sflag:s29], $0x1  }
0xb4: {  	[sflag:s29] =	ssyncadd.s32 $0xFFFFFFFF  }
0xb5: {  	_ =	strace $0x90000048  }
0xb6: {  	_ =	sfence  }
0xb7: {  	s30 =	sld [smem:$0x0];
	_ =	sdelay $0x2  }
0xb8: {  	s31 =	sshll.u32 s1, $0xD;
	s1 =	sshrl.u32 s1, $0x2  }
0xb9: {  	s3 =	sand.u32 $0x4000, s31;
	s1 =	sadd.s32 s1, s30  }
0xba: {  	s0 =	sor.u32 s3, s0;
	s1 =	sshll.u32 s1, $0x11  }
0xbb: {  	s0 =	sor.u32 s1, s0  }
0xbc: {  	s0 =	sadd.s32 $0x8F2B, s0  }
0xbd: {  	[sflag:s0] =	ssyncadd.remote.s32 $0x1  }
0xbe: {  	_ =	sfence.sel $0xFFFF  }
0xbf: {  	[dreg:$0x0] =	wrdreg $0xFFFFFFFF;
	(pc) =	sbr.abs _section_cstart, $3  }
0xc0: {  	[dreg:$0x1] =	wrdreg $0xFFFFFFFF  }
0xc1: {  	_ =	task.clear_ibuf [dreg:s6], $0x2FFFF;
	_ =	strace $0x9FFFFFFF  }
0xc2: {  	(tm) =	ssettm $0x7FFFFFFF  }
0xc3: {  	_ =	shalt  }
tec
execute0_lowered:
.L_overlay_start_1:
0x0: {  	(tag) =	ssettag $0x1  }
0x1: {  	s1 =	srdreg.scid  }
0x2: {  	s0 =	stileid.u32;
	s4 =	rddreg [dreg:$0x0]  }
0x3: {  	s2 =	rddreg [dreg:$0x1];
	s3 =	simm.s32 $0x0;
	s14 =	simm.s32 $0x20  }
0x4: {  	s15 =	simm.s32 $0x10;
	s16 =	simm.s32 $0x0;
	s5 =	sand.u32 $0x1, s1  }
0x5: {  	s31 =	sshll.u32 s0, $0x1;
	s1 =	rddreg [dreg:$0x2];
	s7 =	smul.u32 $0xA00, s0  }
0x6: {  	[smem:$0x7FF] =	sst s3;
	s12 =	smul.u32 $0xA0, s0;
	s13 =	sshll.u32 s0, $0x6  }
0x7: {  	s6 =	sor.u32 s5, s31;
	_ =	strace $0x80000047;
	s8 =	ssub.s32 $0x2, s5  }
0x8: {  	s5 =	sshll.u32 s5, $0x4;
	s6 =	smul.u32 $0x500, s6;
	s9 =	sshrl.u32 s8, $0x1  }
0x9: {  	s7 =	sshrl.u32 s7, $0x2;
	s10 =	sadd.s32 s5, s4;
	s8 =	ssub.s32 s8, s9  }
0xa: {  	s11 =	sadd.s32 $0xC800, s10;
	s9 =	simm.s32 $0x80;
	s10 =	simm.s32 $0x2A80  }
0xb: {  	s6 =	sadd.s32 s6, s4;
	s4 =	sadd.s32 s7, s2;
	s7 =	simm.s32 $0x2800  }
0xc: {  	s11 =	sadd.s32 s12, s11;
	s12 =	sor.u32 $0x1C01, s13;
	s5 =	sadd.s32 $0x2800, s6  }
0xd: {  	v0 =	vimm.f32 $0.0e+00;
	v1 =	vimm.f32 $1.000000000e+00;
	s6 =	smax.u32 s8, $0x1;
	s8 =	simm.s32 $0x1;
	s13 =	sshrl.u32 s4, $0x3  }
.LBB2_1:
0xe: {  	[tilespmem:$0x2800] =	vst v0  }
0xf: {  	[tilespmem:$0x2810] =	vst v0  }
0x10: {  	[tilespmem:$0x2820] =	vst v0  }
0x11: {  	[tilespmem:$0x2830] =	vst v0  }
0x12: {  	[tilespmem:$0x2840] =	vst v0  }
0x13: {  	[tilespmem:$0x2850] =	vst v0  }
0x14: {  	[tilespmem:$0x2860] =	vst v0  }
0x15: {  	[tilespmem:$0x2870] =	vst v0  }
0x16: {  	[tilespmem:$0x2880] =	vst v0  }
0x17: {  	[tilespmem:$0x2890] =	vst v0  }
0x18: {  	[tilespmem:$0x28A0] =	vst v0  }
0x19: {  	[tilespmem:$0x28B0] =	vst v0  }
0x1a: {  	[tilespmem:$0x28C0] =	vst v0  }
0x1b: {  	[tilespmem:$0x28D0] =	vst v0  }
0x1c: {  	[tilespmem:$0x28E0] =	vst v0  }
0x1d: {  	[tilespmem:$0x28F0] =	vst v0  }
0x1e: {  	[tilespmem:$0x2900] =	vst v0  }
0x1f: {  	[tilespmem:$0x2910] =	vst v0  }
0x20: {  	[tilespmem:$0x2920] =	vst v0  }
0x21: {  	[tilespmem:$0x2930] =	vst v0  }
0x22: {  	[tilespmem:$0x2940] =	vst v0  }
0x23: {  	[tilespmem:$0x2950] =	vst v0  }
0x24: {  	[tilespmem:$0x2960] =	vst v0  }
0x25: {  	[tilespmem:$0x2970] =	vst v0  }
0x26: {  	[tilespmem:$0x2980] =	vst v0  }
0x27: {  	[tilespmem:$0x2990] =	vst v0  }
0x28: {  	[tilespmem:$0x29A0] =	vst v0  }
0x29: {  	[tilespmem:$0x29B0] =	vst v0  }
0x2a: {  	[tilespmem:$0x29C0] =	vst v0  }
0x2b: {  	[tilespmem:$0x29D0] =	vst v0  }
0x2c: {  	[tilespmem:$0x29E0] =	vst v0  }
0x2d: {  	[tilespmem:$0x29F0] =	vst v0  }
0x2e: {  	[tilespmem:$0x2A00] =	vst v0  }
0x2f: {  	[tilespmem:$0x2A10] =	vst v0  }
0x30: {  	[tilespmem:$0x2A20] =	vst v0  }
0x31: {  	[tilespmem:$0x2A30] =	vst v0  }
0x32: {  	[tilespmem:$0x2A40] =	vst v0  }
0x33: {  	[tilespmem:$0x2A50] =	vst v0  }
0x34: {  	[tilespmem:$0x2A60] =	vst v0  }
0x35: {  	[tilespmem:$0x2A70] =	vst v0  }
0x36: {  	[tilespmem:$0x2A80] =	vst v1  }
0x37: {  	[tilespmem:$0x2A90] =	vst v1  }
0x38: {  	[tilespmem:$0x2AA0] =	vst v1  }
0x39: {  	[tilespmem:$0x2AB0] =	vst v1  }
0x3a: {  	[tilespmem:$0x2AC0] =	vst v1  }
0x3b: {  	[tilespmem:$0x2AD0] =	vst v1  }
0x3c: {  	[tilespmem:$0x2AE0] =	vst v1  }
0x3d: {  	[tilespmem:$0x2AF0] =	vst v1  }
0x3e: {  	[spmem:s4] =	stream.linear.scatter [tilespmem:s7], [sflag:$0x1], $0x280, $0x38;
	[tilespmem:$0x2D80] =	vst v63  }
0x3f: {  	_ =	swait.ge [sflag:s8], $0x280  }
0x40: {  	[sflag:s8] =	ssyncset.done $0x0  }
0x41: {  	[sflag:s8] =	ssyncadd.s32 $0xFFFFFD80  }
0x42: {  	[tilespmem:s3], [sflag:$0x1] =	stream.linear.gather [hbm4b:s5+s3], $0x2780, $0x38;
	[tilespmem:$0x2D80] =	vst v63  }
0x43: {  	_ =	swait.ge [sflag:s8], $0x2780  }
0x44: {  	[sflag:s8] =	ssyncset.done $0x0  }
0x45: {  	[sflag:s8] =	ssyncadd.s32 $0xFFFFD880  }
0x46: {  	s17 =	simm.s32 $0x0;
	[bflag:$0x0] =	sbarrier.arrive $0xFFFF  }
0x47: {  	[spmem:s2] =	stream.indirect.scatter.add.f32 [tilespmem:s10], [sflag:$0x1], $0x1, s17, s9, $0xb8;
	[tilespmem:$0x2D80] =	vst v63  }
0x48: {  	_ =	swait.ge [sflag:s8], $0x80  }
0x49: {  	s17 =	simm.s32 $0x200;
	[sflag:s8] =	ssyncset.done $0x0  }
.LBB2_2:
0x4a: {  	s18 =	sshra.s32 s17, $0x2;
	[sflag:s8] =	ssyncadd.s32 $0xFFFFFF80;
	p0 =	sne.s32 s17, $0x9C00  }
0x4b: {  	[spmem:s2] =	stream.indirect.scatter.add.f32 [tilespmem:s10], [sflag:$0x1], $0x1, s18, s9, $0xb8;
	[tilespmem:$0x2D80] =	vst v63  }
.Ltmp0:
0x4c: {  	_ = 	snop;
	(pc) =	sbr.rel @p0 .LBB2_2-.Ltmp0, $4  }
0x4d: {  	_ = 	snop  }
0x4e: {  	s17 =	sadd.s32 $0x200, s17  }
0x4f: {  	_ =	swait.ge [sflag:s8], $0x80  }
0x50: {  	[sflag:s8] =	ssyncset.done $0x0  }
0x51: {  	s16 =	sadd.s32 $0x1, s16  }
0x52: {  	[sflag:s8] =	ssyncadd.s32 $0xFFFFFF80;
	p0 =	sne.s32 s16, s6  }
.Ltmp1:
0x53: {  	[bflag:$0x0] =	sbarrier.arrive $0xFFFF;
	(pc) =	sbr.rel @p0 .LBB2_1-.Ltmp1, $4  }
0x54: {  	[hbm:s11@s14], [sflag:s12] =	dma.strided [spmem:s13@s15], $0x50, s8, $0x10   }
0x55: {  	_ =	swait.ge [sflag:s8], $0x50  }
0x56: {  	[sflag:s8] =	ssyncset.done $0x0  }
0x57: {  	[sflag:s8] =	ssyncadd.s32 $0xFFFFFFB0  }
0x58: {  	_ =	sfence.sel $0x180000  }
0x59: {  	[bflag:$0x0] =	sbarrier.arrive $0xFFFF  }
0x5a: {  	p0 =	sne.s32 s0, $0x0;
	_ =	strace $0x90000047  }
0x5b: {  	s0 =	sadd.s32 @!p0 $0x100000, s1;
	[bflag:$0x2] =	sbarrier.arrive $0xFFFF  }
0x5c: {  	[sflag:s0] =	ssyncadd.tile.s32 @!p0 $0x1;
	_ =	shalt  }
.Lfunc_end2:
_tile_overlayer_lowered:
.L_overlay_start_2:
0x5d: {  	(tag) =	ssettag $0x2  }
0x5e: {  	s0 =	rddreg [dreg:$0x0];
	s2 =	stileid.u32  }
0x5f: {  	s1 =	rddreg [dreg:$0x1];
	p0 =	sne.s32 s2, $0x0  }
0x60: {  	s3 =	rddreg [dreg:$0x2];
	[bflag:$0x3] =	sbarrier.arrive $0xFFFF;
	s2 =	simm.s32 @!p0 $0x1C01  }
0x61: {  	[timem:s3], [sflag:s2] =	dma.local @!p0 [hbm:s0], s1  }
0x62: {  	s0 =	simm.s32 @!p0 $0x1  }
0x63: {  	_ =	swait.ge @!p0 [sflag:s0], s1  }
0x64: {  	s1 =	ssub.s32 @!p0 $0x0, s1;
	[sflag:s0] =	ssyncset.done @!p0 $0x0  }
0x65: {  	[sflag:s0] =	ssyncadd.s32 @!p0 s1  }
0x66: {  	[bflag:$0x3] =	sbarrier.arrive $0xFFFF  }
0x67: {  	_ =	shalt  }

</sc_bundles>
